<compile_context>
chip_gen: v7x
topology: tpu7x:2x2x1
jax: 0.10.2.dev20260603
libtpu: 0.0.44.dev20260713+nightly
codegen_flags: <defaults>
</compile_context>

<pallas_src>
import functools

import jax
import jax.numpy as jnp
from jax import lax
from jax.experimental import pallas as pl
from jax.experimental.pallas import tpu as pltpu
from jax.experimental.pallas import tpu_sc as plsc

N = 1000
NPAD = 1024
E = 64000
NC = 2
NS = 16
L = 16
NW = NC * NS
EPW = E // NW
GROUPS = EPW // L
NEG = -3.0e38

_f32 = jnp.float32

_mesh = plsc.VectorSubcoreMesh(core_axis_name="c", subcore_axis_name="s")


@functools.partial(
    pl.kernel,
    out_type=[jax.ShapeDtypeStruct((NW, NPAD), _f32)] * 5,
    mesh=_mesh,
    compiler_params=pltpu.CompilerParams(needs_layout_passes=False),
    scratch_types=[
        pltpu.VMEM((EPW,), jnp.int32),
        pltpu.VMEM((EPW,), jnp.int32),
        pltpu.VMEM((2 * N,), _f32),
        pltpu.VMEM((NPAD,), _f32),
        pltpu.VMEM((NPAD,), _f32),
        pltpu.VMEM((NPAD,), _f32),
        pltpu.VMEM((4 * NPAD,), _f32),
        pltpu.VMEM((4 * NPAD,), _f32),
        pltpu.SemaphoreType.DMA,
        pltpu.SemaphoreType.DMA,
        pltpu.SemaphoreType.DMA,
    ],
)
def _sc_aggregate(edge_hbm, x_hbm,
                  o_sum0, o_sum1, o_cnt, o_max0, o_max1,
                  src_v, dst_v, x_v,
                  sum0_v, sum1_v, cnt_v, max0_v, max1_v, sems, semd, semx):
    wid = lax.axis_index("s") * NC + lax.axis_index("c")
    base = wid * EPW
    cps = pltpu.make_async_copy(edge_hbm.at[pl.ds(base, EPW)], src_v, sems)
    cpd = pltpu.make_async_copy(edge_hbm.at[pl.ds(E + base, EPW)], dst_v, semd)
    cpx = pltpu.make_async_copy(x_hbm, x_v, semx)
    cps.start()
    cpd.start()
    cpx.start()

    zeros16 = jnp.zeros((L,), _f32)
    ones16 = jnp.ones((L,), _f32)
    neg16 = jnp.full((L,), NEG, _f32)

    @plsc.parallel_loop(0, NPAD // L, unroll=2)
    def init_sums(j):
        off = j * L
        sum0_v[pl.ds(off, L)] = zeros16
        sum1_v[pl.ds(off, L)] = zeros16
        cnt_v[pl.ds(off, L)] = zeros16

    @plsc.parallel_loop(0, 4 * NPAD // L, unroll=2)
    def init_max(j):
        off = j * L
        max0_v[pl.ds(off, L)] = neg16
        max1_v[pl.ds(off, L)] = neg16

    cps.wait()
    cpd.wait()
    cpx.wait()

    @plsc.parallel_loop(0, GROUPS, unroll=2)
    def group_body(g):
        off = g * L
        koff = jnp.bitwise_and(g, 3) * NPAD
        d = dst_v[pl.ds(off, L)]
        s = src_v[pl.ds(off, L)]
        s2 = s + s
        g0 = plsc.load_gather(x_v, [s2])
        g1 = plsc.load_gather(x_v, [s2 + 1])
        plsc.addupdate_scatter(sum0_v, [d], g0)
        plsc.addupdate_scatter(sum1_v, [d], g1)
        plsc.addupdate_scatter(cnt_v, [d], ones16)
        g0s, d0 = plsc.sort_key_val(g0, d)
        i0 = d0 + koff
        c0 = plsc.load_gather(max0_v, [i0])
        plsc.store_scatter(max0_v, [i0], jnp.maximum(c0, g0s))
        g1s, d1 = plsc.sort_key_val(g1, d)
        i1 = d1 + koff
        c1 = plsc.load_gather(max1_v, [i1])
        plsc.store_scatter(max1_v, [i1], jnp.maximum(c1, g1s))

    @plsc.parallel_loop(0, NPAD // L, unroll=2)
    def merge_max(j):
        off = j * L
        a0 = max0_v[pl.ds(off, L)]
        a1 = max1_v[pl.ds(off, L)]
        for r in range(1, 4):
            a0 = jnp.maximum(a0, max0_v[pl.ds(off + r * NPAD, L)])
            a1 = jnp.maximum(a1, max1_v[pl.ds(off + r * NPAD, L)])
        max0_v[pl.ds(off, L)] = a0
        max1_v[pl.ds(off, L)] = a1

    pltpu.sync_copy(sum0_v, o_sum0.at[wid])
    pltpu.sync_copy(sum1_v, o_sum1.at[wid])
    pltpu.sync_copy(cnt_v, o_cnt.at[wid])
    pltpu.sync_copy(max0_v.at[pl.ds(0, NPAD)], o_max0.at[wid])
    pltpu.sync_copy(max1_v.at[pl.ds(0, NPAD)], o_max1.at[wid])


def _tc_body(wl0_ref, bl0_ref, wl1_ref, bl1_ref,
             p_sum0, p_sum1, p_cnt, p_max0, p_max1,
             x_ref, wr0_ref, wr1_ref,
             w0_hbm, b0_ref, w1_hbm, b1_ref, w2_hbm, b2_ref,
             emb_ref, out_ref,
             w0_v, w1_v, w2_v, sem0, sem1, sem2):
    cp0 = pltpu.make_async_copy(w0_hbm, w0_v, sem0)
    cp1 = pltpu.make_async_copy(w1_hbm, w1_v, sem1)
    cp2 = pltpu.make_async_copy(w2_hbm, w2_v, sem2)
    cp0.start()
    cp1.start()
    cp2.start()
    dims = (((1,), (1,)), ((), ()))
    sum0 = jnp.sum(p_sum0[...], axis=0, keepdims=True)[:, :N]
    sum1 = jnp.sum(p_sum1[...], axis=0, keepdims=True)[:, :N]
    cnt = jnp.sum(p_cnt[...], axis=0, keepdims=True)[:, :N]
    max0 = jnp.max(p_max0[...], axis=0, keepdims=True)[:, :N]
    max1 = jnp.max(p_max1[...], axis=0, keepdims=True)[:, :N]
    denom = jnp.maximum(cnt, 1.0)
    mean0 = sum0 / denom
    mean1 = sum1 / denom
    has = cnt > 0.0
    mx0 = jnp.where(has, max0, 0.0)
    mx1 = jnp.where(has, max1, 0.0)
    x = x_ref[...]
    xr0 = lax.dot_general(wr0_ref[...], x, dims, preferred_element_type=_f32)
    xr1 = lax.dot_general(wr1_ref[...], x, dims, preferred_element_type=_f32)
    xm = jnp.maximum(
        mean0 * wl0_ref[0, 0] + mean1 * wl0_ref[0, 1] + bl0_ref[0] + xr0, 0.0)
    xx = jnp.maximum(
        mx0 * wl1_ref[0, 0] + mx1 * wl1_ref[0, 1] + bl1_ref[0] + xr1, 0.0)
    emb = xm + xx
    emb_ref[...] = emb
    cp0.wait()
    h = jnp.maximum(
        lax.dot_general(emb, w0_v[...], dims, preferred_element_type=_f32)
        + b0_ref[...], 0.0)
    cp1.wait()
    h = jnp.maximum(
        lax.dot_general(h, w1_v[...], dims, preferred_element_type=_f32)
        + b1_ref[...], 0.0)
    cp2.wait()
    o = jnp.maximum(
        lax.dot_general(h, w2_v[...], dims, preferred_element_type=_f32)
        + b2_ref[...], 0.0)
    out_ref[...] = o


_smem = pl.BlockSpec(memory_space=pltpu.SMEM)
_any = pl.BlockSpec(memory_space=pl.ANY)
_mlp_call = pl.pallas_call(
    _tc_body,
    out_shape=[
        jax.ShapeDtypeStruct((1, N), _f32),
        jax.ShapeDtypeStruct((1, N - 1), _f32),
    ],
    in_specs=([_smem] * 4 + [pl.BlockSpec()] * 8
              + [_any, pl.BlockSpec(), _any, pl.BlockSpec(), _any,
                 pl.BlockSpec()]),
    scratch_shapes=[
        pltpu.VMEM((N, N), _f32),
        pltpu.VMEM((N, N), _f32),
        pltpu.VMEM((N - 1, N), _f32),
        pltpu.SemaphoreType.DMA,
        pltpu.SemaphoreType.DMA,
        pltpu.SemaphoreType.DMA,
    ],
)


def kernel(X, edge_index, Wl0, bl0, Wr0, Wl1, bl1, Wr1, W0, b0, W1, b1, W2, b2):
    s0, s1, ct, m0, m1 = _sc_aggregate(edge_index.reshape(2 * E), X.reshape(2 * N))
    emb, out = _mlp_call(
        Wl0, bl0, Wl1, bl1, s0, s1, ct, m0, m1,
        X, Wr0, Wr1,
        W0, b0.reshape(1, N), W1, b1.reshape(1, N), W2, b2.reshape(1, N - 1))
    return emb[0], out[0]

# --- scband reference (transcript-rebuilt; emitter-appended) ---
"""Pipeline reference for scband-assistant-branch-47356309406284 (READ-ONLY COPY).

The authoritative reference and input builder live on the scoring server;
editing this copy changes nothing except your own understanding.
"""

import jax, jax.numpy as jnp
import numpy as np

N = 1000
E = 64000

def _uniform(k, shape, fan_in):
    s = 1.0 / np.sqrt(fan_in)
    return jax.random.uniform(k, shape, minval=-s, maxval=s, dtype=jnp.float32)

def setup_inputs(seed: int = 0) -> dict:
    key = jax.random.key(seed)
    ks = jax.random.split(key, 14)
    X = jax.random.normal(ks[0], (N, 2), dtype=jnp.float32)
    edge_index = jax.random.randint(ks[1], (2, E), 0, N, dtype=jnp.int32)
    # SAGEConv(2,1) mean: lin_l (aggregated neighbors, with bias), lin_r (root, no bias)
    Wl0 = _uniform(ks[2], (1, 2), 2); bl0 = _uniform(ks[3], (1,), 2); Wr0 = _uniform(ks[4], (1, 2), 2)
    # SAGEConv(2,1) max
    Wl1 = _uniform(ks[5], (1, 2), 2); bl1 = _uniform(ks[6], (1,), 2); Wr1 = _uniform(ks[7], (1, 2), 2)
    # MLP head
    W0 = _uniform(ks[8], (1000, 1000), 1000); b0 = _uniform(ks[9], (1000,), 1000)
    W1 = _uniform(ks[10], (1000, 1000), 1000); b1 = _uniform(ks[11], (1000,), 1000)
    W2 = _uniform(ks[12], (999, 1000), 1000); b2 = _uniform(ks[13], (999,), 1000)
    return {"X": X, "edge_index": edge_index,
            "Wl0": Wl0, "bl0": bl0, "Wr0": Wr0,
            "Wl1": Wl1, "bl1": bl1, "Wr1": Wr1,
            "W0": W0, "b0": b0, "W1": W1, "b1": b1, "W2": W2, "b2": b2}

def _sage_mean(x, src, dst, Wl, bl, Wr):
    msg = x[src]
    summed = jax.ops.segment_sum(msg, dst, num_segments=N)
    cnt = jax.ops.segment_sum(jnp.ones((src.shape[0], 1), dtype=x.dtype), dst, num_segments=N)
    agg = summed / jnp.maximum(cnt, 1.0)
    return agg @ Wl.T + bl + x @ Wr.T

def _sage_max(x, src, dst, Wl, bl, Wr):
    msg = x[src]
    agg = jax.ops.segment_max(msg, dst, num_segments=N)
    agg = jnp.where(jnp.isfinite(agg), agg, 0.0)
    return agg @ Wl.T + bl + x @ Wr.T

def reference(X, edge_index, Wl0, bl0, Wr0, Wl1, bl1, Wr1, W0, b0, W1, b1, W2, b2):
    src = edge_index[0]
    dst = edge_index[1]
    x_mean = jax.nn.relu(_sage_mean(X, src, dst, Wl0, bl0, Wr0))
    x_max = jax.nn.relu(_sage_max(X, src, dst, Wl1, bl1, Wr1))
    x = x_mean + x_max
    x = x.reshape(-1, 1)
    x = jnp.squeeze(x)
    x_embedding = x
    x = jax.nn.relu(x @ W0.T + b0)
    x = jax.nn.relu(x @ W1.T + b1)
    x = jax.nn.relu(x @ W2.T + b2)
    return (x_embedding, x)

if __name__ == "__main__":
    import jax
    _d = setup_inputs()
    print(jax.jit(kernel)(*tuple(_d.values())))

</pallas_src>

<mosaic_0001>
#map = affine_map<(d0, d1) -> (0)>
#map1 = affine_map<(d0, d1) -> (0, 0)>
module attributes {stable_mosaic.version = 14 : i64} {
  func.func @_sc_aggregate(%arg0: i32, %arg1: i32, %arg2: memref<128000xi32, #tpu.memory_space<hbm>>, %arg3: memref<2000xf32, #tpu.memory_space<hbm>>, %arg4: memref<32x1024xf32, #tpu.memory_space<hbm>>, %arg5: memref<32x1024xf32, #tpu.memory_space<hbm>>, %arg6: memref<32x1024xf32, #tpu.memory_space<hbm>>, %arg7: memref<32x1024xf32, #tpu.memory_space<hbm>>, %arg8: memref<32x1024xf32, #tpu.memory_space<hbm>>, %arg9: memref<2000xi32, #tpu.memory_space<vmem>>, %arg10: memref<2000xi32, #tpu.memory_space<vmem>>, %arg11: memref<2000xf32, #tpu.memory_space<vmem>>, %arg12: memref<1024xf32, #tpu.memory_space<vmem>>, %arg13: memref<1024xf32, #tpu.memory_space<vmem>>, %arg14: memref<1024xf32, #tpu.memory_space<vmem>>, %arg15: memref<4096xf32, #tpu.memory_space<vmem>>, %arg16: memref<4096xf32, #tpu.memory_space<vmem>>, %arg17: memref<!tpu.dma_semaphore, #tpu.memory_space<semaphore_mem>>, %arg18: memref<!tpu.dma_semaphore, #tpu.memory_space<semaphore_mem>>, %arg19: memref<!tpu.dma_semaphore, #tpu.memory_space<semaphore_mem>>) attributes {dimension_semantics = [#tpu.dimension_semantics<core_parallel>, #tpu.dimension_semantics<subcore_parallel>], iteration_bounds = array<i64: 2, 16>, scalar_prefetch = 0 : i64, scratch_operands = 11 : i64, tpu.core_type = #tpu.core_type<sc_vector_subcore>, window_params = [{transform_indices = #map}, {transform_indices = #map}, {transform_indices = #map1}, {transform_indices = #map1}, {transform_indices = #map1}, {transform_indices = #map1}, {transform_indices = #map1}]} {
    %mul3A = arith.constant 2 : i32
    %mul3A_0 = arith.muli %arg1, %mul3A : i32
    %add3A = arith.addi %mul3A_0, %arg0 : i32
    %mul3A_1 = arith.constant 2000 : i32
    %mul3A_2 = arith.muli %add3A, %mul3A_1 : i32
    %add3A_3 = arith.constant 64000 : i32
    %add3A_4 = arith.addi %add3A_3, %mul3A_2 : i32
    %dma_start3A = tpu.memref_slice %arg2[%mul3A_2] : memref<128000xi32, #tpu.memory_space<hbm>> -> memref<2000xi32, #tpu.memory_space<hbm>>
    %dma_start3A_5 = tpu.memref_slice %arg2[%mul3A_2] : memref<128000xi32, #tpu.memory_space<hbm>> -> memref<2000xi32, #tpu.memory_space<hbm>>
    tpu.enqueue_dma source(%dma_start3A_5 : memref<2000xi32, #tpu.memory_space<hbm>>) target(%arg9 : memref<2000xi32, #tpu.memory_space<vmem>>) target_semaphore(%arg17 : memref<!tpu.dma_semaphore, #tpu.memory_space<semaphore_mem>>)
    %dma_start3A_6 = tpu.memref_slice %arg2[%add3A_4] : memref<128000xi32, #tpu.memory_space<hbm>> -> memref<2000xi32, #tpu.memory_space<hbm>>
    %dma_start3A_7 = tpu.memref_slice %arg2[%add3A_4] : memref<128000xi32, #tpu.memory_space<hbm>> -> memref<2000xi32, #tpu.memory_space<hbm>>
    tpu.enqueue_dma source(%dma_start3A_7 : memref<2000xi32, #tpu.memory_space<hbm>>) target(%arg10 : memref<2000xi32, #tpu.memory_space<vmem>>) target_semaphore(%arg18 : memref<!tpu.dma_semaphore, #tpu.memory_space<semaphore_mem>>)
    tpu.enqueue_dma source(%arg3 : memref<2000xf32, #tpu.memory_space<hbm>>) target(%arg11 : memref<2000xf32, #tpu.memory_space<vmem>>) target_semaphore(%arg19 : memref<!tpu.dma_semaphore, #tpu.memory_space<semaphore_mem>>)
    %broadcast_in_dim3A = arith.constant 0.000000e+00 : f32
    %broadcast_in_dim3A_8 = vector.broadcast %broadcast_in_dim3A : f32 to vector<16xf32>
    %broadcast_in_dim3A_9 = arith.constant 1.000000e+00 : f32
    %broadcast_in_dim3A_10 = vector.broadcast %broadcast_in_dim3A_9 : f32 to vector<16xf32>
    %broadcast_in_dim3A_11 = arith.constant -3.000000e+38 : f32
    %broadcast_in_dim3A_12 = vector.broadcast %broadcast_in_dim3A_11 : f32 to vector<16xf32>
    %parallel_loop3A = arith.constant 0 : i32
    %parallel_loop3A_13 = arith.constant 64 : i32
    %parallel_loop3A_14 = arith.constant 1 : i32
    scf.for %parallel_loop3A_27 = %parallel_loop3A to %parallel_loop3A_13 step %parallel_loop3A_14  : i32 {
      %parallel_loop3A_28 = arith.constant 16 : i32
      %parallel_loop3A_29 = arith.muli %parallel_loop3A_27, %parallel_loop3A_28 : i32
      %parallel_loop3A_30 = arith.index_cast %parallel_loop3A_29 : i32 to index
      %parallel_loop3A_31 = tpu.vector_load %arg12[%parallel_loop3A_30] {strides = array<i32>} : memref<1024xf32, #tpu.memory_space<vmem>>, vector<16xf32>,
      tpu.vector_store %arg12[%parallel_loop3A_30], %broadcast_in_dim3A_8 {strides = array<i32>} : memref<1024xf32, #tpu.memory_space<vmem>>, vector<16xf32>,
      %parallel_loop3A_32 = arith.index_cast %parallel_loop3A_29 : i32 to index
      %parallel_loop3A_33 = tpu.vector_load %arg13[%parallel_loop3A_32] {strides = array<i32>} : memref<1024xf32, #tpu.memory_space<vmem>>, vector<16xf32>,
      tpu.vector_store %arg13[%parallel_loop3A_32], %broadcast_in_dim3A_8 {strides = array<i32>} : memref<1024xf32, #tpu.memory_space<vmem>>, vector<16xf32>,
      %parallel_loop3A_34 = arith.index_cast %parallel_loop3A_29 : i32 to index
      %parallel_loop3A_35 = tpu.vector_load %arg14[%parallel_loop3A_34] {strides = array<i32>} : memref<1024xf32, #tpu.memory_space<vmem>>, vector<16xf32>,
      tpu.vector_store %arg14[%parallel_loop3A_34], %broadcast_in_dim3A_8 {strides = array<i32>} : memref<1024xf32, #tpu.memory_space<vmem>>, vector<16xf32>,
    } {sc.loop_unroll_factor = 2 : i64, sc.parallel_access}
    %parallel_loop3A_15 = arith.constant 0 : i32
    %parallel_loop3A_16 = arith.constant 256 : i32
    %parallel_loop3A_17 = arith.constant 1 : i32
    scf.for %parallel_loop3A_27 = %parallel_loop3A_15 to %parallel_loop3A_16 step %parallel_loop3A_17  : i32 {
      %parallel_loop3A_28 = arith.constant 16 : i32
      %parallel_loop3A_29 = arith.muli %parallel_loop3A_27, %parallel_loop3A_28 : i32
      %parallel_loop3A_30 = arith.index_cast %parallel_loop3A_29 : i32 to index
      %parallel_loop3A_31 = tpu.vector_load %arg15[%parallel_loop3A_30] {strides = array<i32>} : memref<4096xf32, #tpu.memory_space<vmem>>, vector<16xf32>,
      tpu.vector_store %arg15[%parallel_loop3A_30], %broadcast_in_dim3A_12 {strides = array<i32>} : memref<4096xf32, #tpu.memory_space<vmem>>, vector<16xf32>,
      %parallel_loop3A_32 = arith.index_cast %parallel_loop3A_29 : i32 to index
      %parallel_loop3A_33 = tpu.vector_load %arg16[%parallel_loop3A_32] {strides = array<i32>} : memref<4096xf32, #tpu.memory_space<vmem>>, vector<16xf32>,
      tpu.vector_store %arg16[%parallel_loop3A_32], %broadcast_in_dim3A_12 {strides = array<i32>} : memref<4096xf32, #tpu.memory_space<vmem>>, vector<16xf32>,
    } {sc.loop_unroll_factor = 2 : i64, sc.parallel_access}
    %dma_wait3A = tpu.memref_slice %arg2[%mul3A_2] : memref<128000xi32, #tpu.memory_space<hbm>> -> memref<2000xi32, #tpu.memory_space<hbm>>
    %dma_wait3A_18 = tpu.memref_slice %arg2[%mul3A_2] : memref<128000xi32, #tpu.memory_space<hbm>> -> memref<2000xi32, #tpu.memory_space<hbm>>
    tpu.wait_dma2 semaphore(%arg17 : memref<!tpu.dma_semaphore, #tpu.memory_space<semaphore_mem>>) src(%dma_wait3A_18 : memref<2000xi32, #tpu.memory_space<hbm>>) dst(%arg9 : memref<2000xi32, #tpu.memory_space<vmem>>)
    %dma_wait3A_19 = tpu.memref_slice %arg2[%add3A_4] : memref<128000xi32, #tpu.memory_space<hbm>> -> memref<2000xi32, #tpu.memory_space<hbm>>
    %dma_wait3A_20 = tpu.memref_slice %arg2[%add3A_4] : memref<128000xi32, #tpu.memory_space<hbm>> -> memref<2000xi32, #tpu.memory_space<hbm>>
    tpu.wait_dma2 semaphore(%arg18 : memref<!tpu.dma_semaphore, #tpu.memory_space<semaphore_mem>>) src(%dma_wait3A_20 : memref<2000xi32, #tpu.memory_space<hbm>>) dst(%arg10 : memref<2000xi32, #tpu.memory_space<vmem>>)
    tpu.wait_dma2 semaphore(%arg19 : memref<!tpu.dma_semaphore, #tpu.memory_space<semaphore_mem>>) src(%arg3 : memref<2000xf32, #tpu.memory_space<hbm>>) dst(%arg11 : memref<2000xf32, #tpu.memory_space<vmem>>)
    %parallel_loop3A_21 = arith.constant 0 : i32
    %parallel_loop3A_22 = arith.constant 125 : i32
    %parallel_loop3A_23 = arith.constant 1 : i32
    scf.for %parallel_loop3A_27 = %parallel_loop3A_21 to %parallel_loop3A_22 step %parallel_loop3A_23  : i32 {
      %parallel_loop3A_28 = arith.constant 16 : i32
      %parallel_loop3A_29 = arith.muli %parallel_loop3A_27, %parallel_loop3A_28 : i32
      %parallel_loop3A_30 = arith.constant 3 : i32
      %parallel_loop3A_31 = arith.andi %parallel_loop3A_27, %parallel_loop3A_30 : i32
      %parallel_loop3A_32 = arith.constant 1024 : i32
      %parallel_loop3A_33 = arith.muli %parallel_loop3A_31, %parallel_loop3A_32 : i32
      %parallel_loop3A_34 = arith.index_cast %parallel_loop3A_29 : i32 to index
      %parallel_loop3A_35 = tpu.vector_load %arg10[%parallel_loop3A_34] {strides = array<i32>} : memref<2000xi32, #tpu.memory_space<vmem>>, vector<16xi32>,
      %parallel_loop3A_36 = arith.index_cast %parallel_loop3A_29 : i32 to index
      %parallel_loop3A_37 = tpu.vector_load %arg9[%parallel_loop3A_36] {strides = array<i32>} : memref<2000xi32, #tpu.memory_space<vmem>>, vector<16xi32>,
      %parallel_loop3A_38 = arith.addi %parallel_loop3A_37, %parallel_loop3A_37 : vector<16xi32>
      %parallel_loop3A_39 = tpu.vector_load_idx %arg11[%parallel_loop3A_38] : memref<2000xf32, #tpu.memory_space<vmem>>[vector<16xi32>], vector<16xf32>,
      %parallel_loop3A_40 = arith.constant 1 : i32
      %parallel_loop3A_41 = vector.broadcast %parallel_loop3A_40 : i32 to vector<16xi32>
      %parallel_loop3A_42 = arith.addi %parallel_loop3A_38, %parallel_loop3A_41 : vector<16xi32>
      %parallel_loop3A_43 = tpu.vector_load_idx %arg11[%parallel_loop3A_42] : memref<2000xf32, #tpu.memory_space<vmem>>[vector<16xi32>], vector<16xf32>,
      tpu.vector_store_idx %arg12[%parallel_loop3A_35], %parallel_loop3A_39 {add = true} : memref<1024xf32, #tpu.memory_space<vmem>>[vector<16xi32>], vector<16xf32>,
      tpu.vector_store_idx %arg13[%parallel_loop3A_35], %parallel_loop3A_43 {add = true} : memref<1024xf32, #tpu.memory_space<vmem>>[vector<16xi32>], vector<16xf32>,
      tpu.vector_store_idx %arg14[%parallel_loop3A_35], %broadcast_in_dim3A_10 {add = true} : memref<1024xf32, #tpu.memory_space<vmem>>[vector<16xi32>], vector<16xf32>,
      %parallel_loop3A_44 = arith.constant dense<true> : vector<16xi1>
      %parallel_loop3A_45, %parallel_loop3A_46, %parallel_loop3A_47 = tpu.sort %parallel_loop3A_39, %parallel_loop3A_35 masked %parallel_loop3A_44 : (vector<16xf32>, vector<16xi32>, vector<16xi1>) -> (vector<16xi1>, vector<16xf32>, vector<16xi32>)
      %parallel_loop3A_48 = vector.broadcast %parallel_loop3A_33 : i32 to vector<16xi32>
      %parallel_loop3A_49 = arith.addi %parallel_loop3A_47, %parallel_loop3A_48 : vector<16xi32>
      %parallel_loop3A_50 = tpu.vector_load_idx %arg15[%parallel_loop3A_49] : memref<4096xf32, #tpu.memory_space<vmem>>[vector<16xi32>], vector<16xf32>,
      %parallel_loop3A_51 = arith.maximumf %parallel_loop3A_50, %parallel_loop3A_46 : vector<16xf32>
      tpu.vector_store_idx %arg15[%parallel_loop3A_49], %parallel_loop3A_51 : memref<4096xf32, #tpu.memory_space<vmem>>[vector<16xi32>], vector<16xf32>,
      %parallel_loop3A_52 = arith.constant dense<true> : vector<16xi1>
      %parallel_loop3A_53, %parallel_loop3A_54, %parallel_loop3A_55 = tpu.sort %parallel_loop3A_43, %parallel_loop3A_35 masked %parallel_loop3A_52 : (vector<16xf32>, vector<16xi32>, vector<16xi1>) -> (vector<16xi1>, vector<16xf32>, vector<16xi32>)
      %parallel_loop3A_56 = vector.broadcast %parallel_loop3A_33 : i32 to vector<16xi32>
      %parallel_loop3A_57 = arith.addi %parallel_loop3A_55, %parallel_loop3A_56 : vector<16xi32>
      %parallel_loop3A_58 = tpu.vector_load_idx %arg16[%parallel_loop3A_57] : memref<4096xf32, #tpu.memory_space<vmem>>[vector<16xi32>], vector<16xf32>,
      %parallel_loop3A_59 = arith.maximumf %parallel_loop3A_58, %parallel_loop3A_54 : vector<16xf32>
      tpu.vector_store_idx %arg16[%parallel_loop3A_57], %parallel_loop3A_59 : memref<4096xf32, #tpu.memory_space<vmem>>[vector<16xi32>], vector<16xf32>,
    } {sc.loop_unroll_factor = 2 : i64, sc.parallel_access}
    %parallel_loop3A_24 = arith.constant 0 : i32
    %parallel_loop3A_25 = arith.constant 64 : i32
    %parallel_loop3A_26 = arith.constant 1 : i32
    scf.for %parallel_loop3A_27 = %parallel_loop3A_24 to %parallel_loop3A_25 step %parallel_loop3A_26  : i32 {
      %parallel_loop3A_28 = arith.constant 16 : i32
      %parallel_loop3A_29 = arith.muli %parallel_loop3A_27, %parallel_loop3A_28 : i32
      %parallel_loop3A_30 = arith.index_cast %parallel_loop3A_29 : i32 to index
      %parallel_loop3A_31 = tpu.vector_load %arg15[%parallel_loop3A_30] {strides = array<i32>} : memref<4096xf32, #tpu.memory_space<vmem>>, vector<16xf32>,
      %parallel_loop3A_32 = arith.index_cast %parallel_loop3A_29 : i32 to index
      %parallel_loop3A_33 = tpu.vector_load %arg16[%parallel_loop3A_32] {strides = array<i32>} : memref<4096xf32, #tpu.memory_space<vmem>>, vector<16xf32>,
      %parallel_loop3A_34 = arith.constant 1024 : i32
      %parallel_loop3A_35 = arith.addi %parallel_loop3A_29, %parallel_loop3A_34 : i32
      %parallel_loop3A_36 = arith.index_cast %parallel_loop3A_35 : i32 to index
      %parallel_loop3A_37 = tpu.vector_load %arg15[%parallel_loop3A_36] {strides = array<i32>} : memref<4096xf32, #tpu.memory_space<vmem>>, vector<16xf32>,
      %parallel_loop3A_38 = arith.maximumf %parallel_loop3A_31, %parallel_loop3A_37 : vector<16xf32>
      %parallel_loop3A_39 = arith.constant 1024 : i32
      %parallel_loop3A_40 = arith.addi %parallel_loop3A_29, %parallel_loop3A_39 : i32
      %parallel_loop3A_41 = arith.index_cast %parallel_loop3A_40 : i32 to index
      %parallel_loop3A_42 = tpu.vector_load %arg16[%parallel_loop3A_41] {strides = array<i32>} : memref<4096xf32, #tpu.memory_space<vmem>>, vector<16xf32>,
      %parallel_loop3A_43 = arith.maximumf %parallel_loop3A_33, %parallel_loop3A_42 : vector<16xf32>
      %parallel_loop3A_44 = arith.constant 2048 : i32
      %parallel_loop3A_45 = arith.addi %parallel_loop3A_29, %parallel_loop3A_44 : i32
      %parallel_loop3A_46 = arith.index_cast %parallel_loop3A_45 : i32 to index
      %parallel_loop3A_47 = tpu.vector_load %arg15[%parallel_loop3A_46] {strides = array<i32>} : memref<4096xf32, #tpu.memory_space<vmem>>, vector<16xf32>,
      %parallel_loop3A_48 = arith.maximumf %parallel_loop3A_38, %parallel_loop3A_47 : vector<16xf32>
      %parallel_loop3A_49 = arith.constant 2048 : i32
      %parallel_loop3A_50 = arith.addi %parallel_loop3A_29, %parallel_loop3A_49 : i32
      %parallel_loop3A_51 = arith.index_cast %parallel_loop3A_50 : i32 to index
      %parallel_loop3A_52 = tpu.vector_load %arg16[%parallel_loop3A_51] {strides = array<i32>} : memref<4096xf32, #tpu.memory_space<vmem>>, vector<16xf32>,
      %parallel_loop3A_53 = arith.maximumf %parallel_loop3A_43, %parallel_loop3A_52 : vector<16xf32>
      %parallel_loop3A_54 = arith.constant 3072 : i32
      %parallel_loop3A_55 = arith.addi %parallel_loop3A_29, %parallel_loop3A_54 : i32
      %parallel_loop3A_56 = arith.index_cast %parallel_loop3A_55 : i32 to index
      %parallel_loop3A_57 = tpu.vector_load %arg15[%parallel_loop3A_56] {strides = array<i32>} : memref<4096xf32, #tpu.memory_space<vmem>>, vector<16xf32>,
      %parallel_loop3A_58 = arith.maximumf %parallel_loop3A_48, %parallel_loop3A_57 : vector<16xf32>
      %parallel_loop3A_59 = arith.constant 3072 : i32
      %parallel_loop3A_60 = arith.addi %parallel_loop3A_29, %parallel_loop3A_59 : i32
      %parallel_loop3A_61 = arith.index_cast %parallel_loop3A_60 : i32 to index
      %parallel_loop3A_62 = tpu.vector_load %arg16[%parallel_loop3A_61] {strides = array<i32>} : memref<4096xf32, #tpu.memory_space<vmem>>, vector<16xf32>,
      %parallel_loop3A_63 = arith.maximumf %parallel_loop3A_53, %parallel_loop3A_62 : vector<16xf32>
      %parallel_loop3A_64 = arith.index_cast %parallel_loop3A_29 : i32 to index
      %parallel_loop3A_65 = tpu.vector_load %arg15[%parallel_loop3A_64] {strides = array<i32>} : memref<4096xf32, #tpu.memory_space<vmem>>, vector<16xf32>,
      tpu.vector_store %arg15[%parallel_loop3A_64], %parallel_loop3A_58 {strides = array<i32>} : memref<4096xf32, #tpu.memory_space<vmem>>, vector<16xf32>,
      %parallel_loop3A_66 = arith.index_cast %parallel_loop3A_29 : i32 to index
      %parallel_loop3A_67 = tpu.vector_load %arg16[%parallel_loop3A_66] {strides = array<i32>} : memref<4096xf32, #tpu.memory_space<vmem>>, vector<16xf32>,
      tpu.vector_store %arg16[%parallel_loop3A_66], %parallel_loop3A_63 {strides = array<i32>} : memref<4096xf32, #tpu.memory_space<vmem>>, vector<16xf32>,
    } {sc.loop_unroll_factor = 2 : i64, sc.parallel_access}
    "tpu.region"() ({
      %run_scoped3A = tpu.sem_alloc : memref<!tpu.dma_semaphore, #tpu.memory_space<semaphore_mem>>
      %dma_start3A_27 = arith.constant 0 : i32
      %dma_start3A_28 = tpu.memref_slice %arg4[%add3A, %dma_start3A_27] : memref<32x1024xf32, #tpu.memory_space<hbm>> -> memref<1x1024xf32, #tpu.memory_space<hbm>>
      %dma_start3A_29 = tpu.memref_squeeze %dma_start3A_28 : memref<1x1024xf32, #tpu.memory_space<hbm>> -> memref<1024xf32, #tpu.memory_space<hbm>>
      %dma_start3A_30 = arith.constant 0 : i32
      %dma_start3A_31 = tpu.memref_slice %arg4[%add3A, %dma_start3A_30] : memref<32x1024xf32, #tpu.memory_space<hbm>> -> memref<1x1024xf32, #tpu.memory_space<hbm>>
      %dma_start3A_32 = tpu.memref_squeeze %dma_start3A_31 : memref<1x1024xf32, #tpu.memory_space<hbm>> -> memref<1024xf32, #tpu.memory_space<hbm>>
      tpu.enqueue_dma source(%arg12 : memref<1024xf32, #tpu.memory_space<vmem>>) target(%dma_start3A_32 : memref<1024xf32, #tpu.memory_space<hbm>>) target_semaphore(%run_scoped3A : memref<!tpu.dma_semaphore, #tpu.memory_space<semaphore_mem>>)
      %dma_wait3A_33 = arith.constant 0 : i32
      %dma_wait3A_34 = tpu.memref_slice %arg4[%add3A, %dma_wait3A_33] : memref<32x1024xf32, #tpu.memory_space<hbm>> -> memref<1x1024xf32, #tpu.memory_space<hbm>>
      %dma_wait3A_35 = tpu.memref_squeeze %dma_wait3A_34 : memref<1x1024xf32, #tpu.memory_space<hbm>> -> memref<1024xf32, #tpu.memory_space<hbm>>
      %dma_wait3A_36 = arith.constant 0 : i32
      %dma_wait3A_37 = tpu.memref_slice %arg4[%add3A, %dma_wait3A_36] : memref<32x1024xf32, #tpu.memory_space<hbm>> -> memref<1x1024xf32, #tpu.memory_space<hbm>>
      %dma_wait3A_38 = tpu.memref_squeeze %dma_wait3A_37 : memref<1x1024xf32, #tpu.memory_space<hbm>> -> memref<1024xf32, #tpu.memory_space<hbm>>
      tpu.wait_dma2 semaphore(%run_scoped3A : memref<!tpu.dma_semaphore, #tpu.memory_space<semaphore_mem>>) src(%arg12 : memref<1024xf32, #tpu.memory_space<vmem>>) dst(%dma_wait3A_38 : memref<1024xf32, #tpu.memory_space<hbm>>)
      tpu.yield
    }) : () -> ()
    "tpu.region"() ({
      %run_scoped3A = tpu.sem_alloc : memref<!tpu.dma_semaphore, #tpu.memory_space<semaphore_mem>>
      %dma_start3A_27 = arith.constant 0 : i32
      %dma_start3A_28 = tpu.memref_slice %arg5[%add3A, %dma_start3A_27] : memref<32x1024xf32, #tpu.memory_space<hbm>> -> memref<1x1024xf32, #tpu.memory_space<hbm>>
      %dma_start3A_29 = tpu.memref_squeeze %dma_start3A_28 : memref<1x1024xf32, #tpu.memory_space<hbm>> -> memref<1024xf32, #tpu.memory_space<hbm>>
      %dma_start3A_30 = arith.constant 0 : i32
      %dma_start3A_31 = tpu.memref_slice %arg5[%add3A, %dma_start3A_30] : memref<32x1024xf32, #tpu.memory_space<hbm>> -> memref<1x1024xf32, #tpu.memory_space<hbm>>
      %dma_start3A_32 = tpu.memref_squeeze %dma_start3A_31 : memref<1x1024xf32, #tpu.memory_space<hbm>> -> memref<1024xf32, #tpu.memory_space<hbm>>
      tpu.enqueue_dma source(%arg13 : memref<1024xf32, #tpu.memory_space<vmem>>) target(%dma_start3A_32 : memref<1024xf32, #tpu.memory_space<hbm>>) target_semaphore(%run_scoped3A : memref<!tpu.dma_semaphore, #tpu.memory_space<semaphore_mem>>)
      %dma_wait3A_33 = arith.constant 0 : i32
      %dma_wait3A_34 = tpu.memref_slice %arg5[%add3A, %dma_wait3A_33] : memref<32x1024xf32, #tpu.memory_space<hbm>> -> memref<1x1024xf32, #tpu.memory_space<hbm>>
      %dma_wait3A_35 = tpu.memref_squeeze %dma_wait3A_34 : memref<1x1024xf32, #tpu.memory_space<hbm>> -> memref<1024xf32, #tpu.memory_space<hbm>>
      %dma_wait3A_36 = arith.constant 0 : i32
      %dma_wait3A_37 = tpu.memref_slice %arg5[%add3A, %dma_wait3A_36] : memref<32x1024xf32, #tpu.memory_space<hbm>> -> memref<1x1024xf32, #tpu.memory_space<hbm>>
      %dma_wait3A_38 = tpu.memref_squeeze %dma_wait3A_37 : memref<1x1024xf32, #tpu.memory_space<hbm>> -> memref<1024xf32, #tpu.memory_space<hbm>>
      tpu.wait_dma2 semaphore(%run_scoped3A : memref<!tpu.dma_semaphore, #tpu.memory_space<semaphore_mem>>) src(%arg13 : memref<1024xf32, #tpu.memory_space<vmem>>) dst(%dma_wait3A_38 : memref<1024xf32, #tpu.memory_space<hbm>>)
      tpu.yield
    }) : () -> ()
    "tpu.region"() ({
      %run_scoped3A = tpu.sem_alloc : memref<!tpu.dma_semaphore, #tpu.memory_space<semaphore_mem>>
      %dma_start3A_27 = arith.constant 0 : i32
      %dma_start3A_28 = tpu.memref_slice %arg6[%add3A, %dma_start3A_27] : memref<32x1024xf32, #tpu.memory_space<hbm>> -> memref<1x1024xf32, #tpu.memory_space<hbm>>
      %dma_start3A_29 = tpu.memref_squeeze %dma_start3A_28 : memref<1x1024xf32, #tpu.memory_space<hbm>> -> memref<1024xf32, #tpu.memory_space<hbm>>
      %dma_start3A_30 = arith.constant 0 : i32
      %dma_start3A_31 = tpu.memref_slice %arg6[%add3A, %dma_start3A_30] : memref<32x1024xf32, #tpu.memory_space<hbm>> -> memref<1x1024xf32, #tpu.memory_space<hbm>>
      %dma_start3A_32 = tpu.memref_squeeze %dma_start3A_31 : memref<1x1024xf32, #tpu.memory_space<hbm>> -> memref<1024xf32, #tpu.memory_space<hbm>>
      tpu.enqueue_dma source(%arg14 : memref<1024xf32, #tpu.memory_space<vmem>>) target(%dma_start3A_32 : memref<1024xf32, #tpu.memory_space<hbm>>) target_semaphore(%run_scoped3A : memref<!tpu.dma_semaphore, #tpu.memory_space<semaphore_mem>>)
      %dma_wait3A_33 = arith.constant 0 : i32
      %dma_wait3A_34 = tpu.memref_slice %arg6[%add3A, %dma_wait3A_33] : memref<32x1024xf32, #tpu.memory_space<hbm>> -> memref<1x1024xf32, #tpu.memory_space<hbm>>
      %dma_wait3A_35 = tpu.memref_squeeze %dma_wait3A_34 : memref<1x1024xf32, #tpu.memory_space<hbm>> -> memref<1024xf32, #tpu.memory_space<hbm>>
      %dma_wait3A_36 = arith.constant 0 : i32
      %dma_wait3A_37 = tpu.memref_slice %arg6[%add3A, %dma_wait3A_36] : memref<32x1024xf32, #tpu.memory_space<hbm>> -> memref<1x1024xf32, #tpu.memory_space<hbm>>
      %dma_wait3A_38 = tpu.memref_squeeze %dma_wait3A_37 : memref<1x1024xf32, #tpu.memory_space<hbm>> -> memref<1024xf32, #tpu.memory_space<hbm>>
      tpu.wait_dma2 semaphore(%run_scoped3A : memref<!tpu.dma_semaphore, #tpu.memory_space<semaphore_mem>>) src(%arg14 : memref<1024xf32, #tpu.memory_space<vmem>>) dst(%dma_wait3A_38 : memref<1024xf32, #tpu.memory_space<hbm>>)
      tpu.yield
    }) : () -> ()
    "tpu.region"() ({
      %run_scoped3A = tpu.sem_alloc : memref<!tpu.dma_semaphore, #tpu.memory_space<semaphore_mem>>
      %dma_start3A_27 = arith.constant 0 : i32
      %dma_start3A_28 = tpu.memref_slice %arg15[%dma_start3A_27] : memref<4096xf32, #tpu.memory_space<vmem>> -> memref<1024xf32, #tpu.memory_space<vmem>>
      %dma_start3A_29 = arith.constant 0 : i32
      %dma_start3A_30 = tpu.memref_slice %arg7[%add3A, %dma_start3A_29] : memref<32x1024xf32, #tpu.memory_space<hbm>> -> memref<1x1024xf32, #tpu.memory_space<hbm>>
      %dma_start3A_31 = tpu.memref_squeeze %dma_start3A_30 : memref<1x1024xf32, #tpu.memory_space<hbm>> -> memref<1024xf32, #tpu.memory_space<hbm>>
      %dma_start3A_32 = arith.constant 0 : i32
      %dma_start3A_33 = tpu.memref_slice %arg7[%add3A, %dma_start3A_32] : memref<32x1024xf32, #tpu.memory_space<hbm>> -> memref<1x1024xf32, #tpu.memory_space<hbm>>
      %dma_start3A_34 = tpu.memref_squeeze %dma_start3A_33 : memref<1x1024xf32, #tpu.memory_space<hbm>> -> memref<1024xf32, #tpu.memory_space<hbm>>
      %dma_start3A_35 = arith.constant 0 : i32
      %dma_start3A_36 = tpu.memref_slice %arg15[%dma_start3A_35] : memref<4096xf32, #tpu.memory_space<vmem>> -> memref<1024xf32, #tpu.memory_space<vmem>>
      tpu.enqueue_dma source(%dma_start3A_36 : memref<1024xf32, #tpu.memory_space<vmem>>) target(%dma_start3A_34 : memref<1024xf32, #tpu.memory_space<hbm>>) target_semaphore(%run_scoped3A : memref<!tpu.dma_semaphore, #tpu.memory_space<semaphore_mem>>)
      %dma_wait3A_37 = arith.constant 0 : i32
      %dma_wait3A_38 = tpu.memref_slice %arg15[%dma_wait3A_37] : memref<4096xf32, #tpu.memory_space<vmem>> -> memref<1024xf32, #tpu.memory_space<vmem>>
      %dma_wait3A_39 = arith.constant 0 : i32
      %dma_wait3A_40 = tpu.memref_slice %arg7[%add3A, %dma_wait3A_39] : memref<32x1024xf32, #tpu.memory_space<hbm>> -> memref<1x1024xf32, #tpu.memory_space<hbm>>
      %dma_wait3A_41 = tpu.memref_squeeze %dma_wait3A_40 : memref<1x1024xf32, #tpu.memory_space<hbm>> -> memref<1024xf32, #tpu.memory_space<hbm>>
      %dma_wait3A_42 = arith.constant 0 : i32
      %dma_wait3A_43 = tpu.memref_slice %arg7[%add3A, %dma_wait3A_42] : memref<32x1024xf32, #tpu.memory_space<hbm>> -> memref<1x1024xf32, #tpu.memory_space<hbm>>
      %dma_wait3A_44 = tpu.memref_squeeze %dma_wait3A_43 : memref<1x1024xf32, #tpu.memory_space<hbm>> -> memref<1024xf32, #tpu.memory_space<hbm>>
      %dma_wait3A_45 = arith.constant 0 : i32
      %dma_wait3A_46 = tpu.memref_slice %arg15[%dma_wait3A_45] : memref<4096xf32, #tpu.memory_space<vmem>> -> memref<1024xf32, #tpu.memory_space<vmem>>
      tpu.wait_dma2 semaphore(%run_scoped3A : memref<!tpu.dma_semaphore, #tpu.memory_space<semaphore_mem>>) src(%dma_wait3A_46 : memref<1024xf32, #tpu.memory_space<vmem>>) dst(%dma_wait3A_44 : memref<1024xf32, #tpu.memory_space<hbm>>)
      tpu.yield
    }) : () -> ()
    "tpu.region"() ({
      %run_scoped3A = tpu.sem_alloc : memref<!tpu.dma_semaphore, #tpu.memory_space<semaphore_mem>>
      %dma_start3A_27 = arith.constant 0 : i32
      %dma_start3A_28 = tpu.memref_slice %arg16[%dma_start3A_27] : memref<4096xf32, #tpu.memory_space<vmem>> -> memref<1024xf32, #tpu.memory_space<vmem>>
      %dma_start3A_29 = arith.constant 0 : i32
      %dma_start3A_30 = tpu.memref_slice %arg8[%add3A, %dma_start3A_29] : memref<32x1024xf32, #tpu.memory_space<hbm>> -> memref<1x1024xf32, #tpu.memory_space<hbm>>
      %dma_start3A_31 = tpu.memref_squeeze %dma_start3A_30 : memref<1x1024xf32, #tpu.memory_space<hbm>> -> memref<1024xf32, #tpu.memory_space<hbm>>
      %dma_start3A_32 = arith.constant 0 : i32
      %dma_start3A_33 = tpu.memref_slice %arg8[%add3A, %dma_start3A_32] : memref<32x1024xf32, #tpu.memory_space<hbm>> -> memref<1x1024xf32, #tpu.memory_space<hbm>>
      %dma_start3A_34 = tpu.memref_squeeze %dma_start3A_33 : memref<1x1024xf32, #tpu.memory_space<hbm>> -> memref<1024xf32, #tpu.memory_space<hbm>>
      %dma_start3A_35 = arith.constant 0 : i32
      %dma_start3A_36 = tpu.memref_slice %arg16[%dma_start3A_35] : memref<4096xf32, #tpu.memory_space<vmem>> -> memref<1024xf32, #tpu.memory_space<vmem>>
      tpu.enqueue_dma source(%dma_start3A_36 : memref<1024xf32, #tpu.memory_space<vmem>>) target(%dma_start3A_34 : memref<1024xf32, #tpu.memory_space<hbm>>) target_semaphore(%run_scoped3A : memref<!tpu.dma_semaphore, #tpu.memory_space<semaphore_mem>>)
      %dma_wait3A_37 = arith.constant 0 : i32
      %dma_wait3A_38 = tpu.memref_slice %arg16[%dma_wait3A_37] : memref<4096xf32, #tpu.memory_space<vmem>> -> memref<1024xf32, #tpu.memory_space<vmem>>
      %dma_wait3A_39 = arith.constant 0 : i32
      %dma_wait3A_40 = tpu.memref_slice %arg8[%add3A, %dma_wait3A_39] : memref<32x1024xf32, #tpu.memory_space<hbm>> -> memref<1x1024xf32, #tpu.memory_space<hbm>>
      %dma_wait3A_41 = tpu.memref_squeeze %dma_wait3A_40 : memref<1x1024xf32, #tpu.memory_space<hbm>> -> memref<1024xf32, #tpu.memory_space<hbm>>
      %dma_wait3A_42 = arith.constant 0 : i32
      %dma_wait3A_43 = tpu.memref_slice %arg8[%add3A, %dma_wait3A_42] : memref<32x1024xf32, #tpu.memory_space<hbm>> -> memref<1x1024xf32, #tpu.memory_space<hbm>>
      %dma_wait3A_44 = tpu.memref_squeeze %dma_wait3A_43 : memref<1x1024xf32, #tpu.memory_space<hbm>> -> memref<1024xf32, #tpu.memory_space<hbm>>
      %dma_wait3A_45 = arith.constant 0 : i32
      %dma_wait3A_46 = tpu.memref_slice %arg16[%dma_wait3A_45] : memref<4096xf32, #tpu.memory_space<vmem>> -> memref<1024xf32, #tpu.memory_space<vmem>>
      tpu.wait_dma2 semaphore(%run_scoped3A : memref<!tpu.dma_semaphore, #tpu.memory_space<semaphore_mem>>) src(%dma_wait3A_46 : memref<1024xf32, #tpu.memory_space<vmem>>) dst(%dma_wait3A_44 : memref<1024xf32, #tpu.memory_space<hbm>>)
      tpu.yield
    }) : () -> ()
    return
  }
}

module attributes {stable_mosaic.version = 14 : i64} {
  func.func @_tc_body(%arg0: memref<1x2xf32, #tpu.memory_space<smem>>, %arg1: memref<1xf32, #tpu.memory_space<smem>>, %arg2: memref<1x2xf32, #tpu.memory_space<smem>>, %arg3: memref<1xf32, #tpu.memory_space<smem>>, %arg4: memref<32x1024xf32, #tpu.memory_space<vmem>>, %arg5: memref<32x1024xf32, #tpu.memory_space<vmem>>, %arg6: memref<32x1024xf32, #tpu.memory_space<vmem>>, %arg7: memref<32x1024xf32, #tpu.memory_space<vmem>>, %arg8: memref<32x1024xf32, #tpu.memory_space<vmem>>, %arg9: memref<1000x2xf32, #tpu.memory_space<vmem>>, %arg10: memref<1x2xf32, #tpu.memory_space<vmem>>, %arg11: memref<1x2xf32, #tpu.memory_space<vmem>>, %arg12: memref<1000x1000xf32, #tpu.memory_space<any>>, %arg13: memref<1x1000xf32, #tpu.memory_space<vmem>>, %arg14: memref<1000x1000xf32, #tpu.memory_space<any>>, %arg15: memref<1x1000xf32, #tpu.memory_space<vmem>>, %arg16: memref<999x1000xf32, #tpu.memory_space<any>>, %arg17: memref<1x999xf32, #tpu.memory_space<vmem>>, %arg18: memref<1x1000xf32, #tpu.memory_space<vmem>>, %arg19: memref<1x999xf32, #tpu.memory_space<vmem>>, %arg20: memref<1000x1000xf32, #tpu.memory_space<vmem>>, %arg21: memref<1000x1000xf32, #tpu.memory_space<vmem>>, %arg22: memref<999x1000xf32, #tpu.memory_space<vmem>>, %arg23: memref<!tpu.dma_semaphore, #tpu.memory_space<semaphore_mem>>, %arg24: memref<!tpu.dma_semaphore, #tpu.memory_space<semaphore_mem>>, %arg25: memref<!tpu.dma_semaphore, #tpu.memory_space<semaphore_mem>>) attributes {dimension_semantics = [], scalar_prefetch = 0 : i64, scratch_operands = 6 : i64, tpu.core_type = #tpu.core_type<tc>} {
    tpu.enqueue_dma source(%arg12 : memref<1000x1000xf32, #tpu.memory_space<any>>) target(%arg20 : memref<1000x1000xf32, #tpu.memory_space<vmem>>) target_semaphore(%arg23 : memref<!tpu.dma_semaphore, #tpu.memory_space<semaphore_mem>>)
    tpu.enqueue_dma source(%arg14 : memref<1000x1000xf32, #tpu.memory_space<any>>) target(%arg21 : memref<1000x1000xf32, #tpu.memory_space<vmem>>) target_semaphore(%arg24 : memref<!tpu.dma_semaphore, #tpu.memory_space<semaphore_mem>>)
    tpu.enqueue_dma source(%arg16 : memref<999x1000xf32, #tpu.memory_space<any>>) target(%arg22 : memref<999x1000xf32, #tpu.memory_space<vmem>>) target_semaphore(%arg25 : memref<!tpu.dma_semaphore, #tpu.memory_space<semaphore_mem>>)
    %get3A = arith.constant 0 : index
    %get3A_0 = arith.constant 0 : index
    %get3A_1 = vector.load %arg4[%get3A, %get3A_0] : memref<32x1024xf32, #tpu.memory_space<vmem>>, vector<32x1024xf32>
    %reduce_sum3A = arith.constant dense<0.000000e+00> : vector<1024xf32>
    %reduce_sum3A_2 = vector.multi_reduction <add>, %get3A_1, %reduce_sum3A [0] : vector<32x1024xf32> to vector<1024xf32>
    %broadcast_in_dim3A = vector.shape_cast %reduce_sum3A_2 : vector<1024xf32> to vector<1x1024xf32>
    %slice3A = vector.extract_strided_slice %broadcast_in_dim3A {offsets = [0, 0], sizes = [1, 1000], strides = [1, 1]} : vector<1x1024xf32> to vector<1x1000xf32>
    %get3A_3 = arith.constant 0 : index
    %get3A_4 = arith.constant 0 : index
    %get3A_5 = vector.load %arg5[%get3A_3, %get3A_4] : memref<32x1024xf32, #tpu.memory_space<vmem>>, vector<32x1024xf32>
    %reduce_sum3A_6 = arith.constant dense<0.000000e+00> : vector<1024xf32>
    %reduce_sum3A_7 = vector.multi_reduction <add>, %get3A_5, %reduce_sum3A_6 [0] : vector<32x1024xf32> to vector<1024xf32>
    %broadcast_in_dim3A_8 = vector.shape_cast %reduce_sum3A_7 : vector<1024xf32> to vector<1x1024xf32>
    %slice3A_9 = vector.extract_strided_slice %broadcast_in_dim3A_8 {offsets = [0, 0], sizes = [1, 1000], strides = [1, 1]} : vector<1x1024xf32> to vector<1x1000xf32>
    %get3A_10 = arith.constant 0 : index
    %get3A_11 = arith.constant 0 : index
    %get3A_12 = vector.load %arg6[%get3A_10, %get3A_11] : memref<32x1024xf32, #tpu.memory_space<vmem>>, vector<32x1024xf32>
    %reduce_sum3A_13 = arith.constant dense<0.000000e+00> : vector<1024xf32>
    %reduce_sum3A_14 = vector.multi_reduction <add>, %get3A_12, %reduce_sum3A_13 [0] : vector<32x1024xf32> to vector<1024xf32>
    %broadcast_in_dim3A_15 = vector.shape_cast %reduce_sum3A_14 : vector<1024xf32> to vector<1x1024xf32>
    %slice3A_16 = vector.extract_strided_slice %broadcast_in_dim3A_15 {offsets = [0, 0], sizes = [1, 1000], strides = [1, 1]} : vector<1x1024xf32> to vector<1x1000xf32>
    %get3A_17 = arith.constant 0 : index
    %get3A_18 = arith.constant 0 : index
    %get3A_19 = vector.load %arg7[%get3A_17, %get3A_18] : memref<32x1024xf32, #tpu.memory_space<vmem>>, vector<32x1024xf32>
    %reduce_max3A = arith.constant dense<0xFF800000> : vector<1024xf32>
    %reduce_max3A_20 = vector.multi_reduction <maximumf>, %get3A_19, %reduce_max3A [0] : vector<32x1024xf32> to vector<1024xf32>
    %broadcast_in_dim3A_21 = vector.shape_cast %reduce_max3A_20 : vector<1024xf32> to vector<1x1024xf32>
    %slice3A_22 = vector.extract_strided_slice %broadcast_in_dim3A_21 {offsets = [0, 0], sizes = [1, 1000], strides = [1, 1]} : vector<1x1024xf32> to vector<1x1000xf32>
    %get3A_23 = arith.constant 0 : index
    %get3A_24 = arith.constant 0 : index
    %get3A_25 = vector.load %arg8[%get3A_23, %get3A_24] : memref<32x1024xf32, #tpu.memory_space<vmem>>, vector<32x1024xf32>
    %reduce_max3A_26 = arith.constant dense<0xFF800000> : vector<1024xf32>
    %reduce_max3A_27 = vector.multi_reduction <maximumf>, %get3A_25, %reduce_max3A_26 [0] : vector<32x1024xf32> to vector<1024xf32>
    %broadcast_in_dim3A_28 = vector.shape_cast %reduce_max3A_27 : vector<1024xf32> to vector<1x1024xf32>
    %slice3A_29 = vector.extract_strided_slice %broadcast_in_dim3A_28 {offsets = [0, 0], sizes = [1, 1000], strides = [1, 1]} : vector<1x1024xf32> to vector<1x1000xf32>
    %max3A = arith.constant 1.000000e+00 : f32
    %max3A_30 = vector.broadcast %max3A : f32 to vector<1x1000xf32>
    %max3A_31 = arith.maximumf %slice3A_16, %max3A_30 : vector<1x1000xf32>
    %div3A = arith.divf %slice3A, %max3A_31 : vector<1x1000xf32>
    %div3A_32 = arith.divf %slice3A_9, %max3A_31 : vector<1x1000xf32>
    %gt3A = arith.constant 0.000000e+00 : f32
    %gt3A_33 = vector.broadcast %gt3A : f32 to vector<1x1000xf32>
    %gt3A_34 = arith.cmpf ogt, %slice3A_16, %gt3A_33 : vector<1x1000xf32>
    %jit3A = arith.constant 0.000000e+00 : f32
    %broadcast_in_dim3A_35 = vector.broadcast %jit3A : f32 to vector<1x1000xf32>
    %select_n3A = arith.select %gt3A_34, %slice3A_22, %broadcast_in_dim3A_35 : vector<1x1000xi1>, vector<1x1000xf32>
    %jit3A_36 = arith.constant 0.000000e+00 : f32
    %broadcast_in_dim3A_37 = vector.broadcast %jit3A_36 : f32 to vector<1x1000xf32>
    %select_n3A_38 = arith.select %gt3A_34, %slice3A_29, %broadcast_in_dim3A_37 : vector<1x1000xi1>, vector<1x1000xf32>
    %get3A_39 = arith.constant 0 : index
    %get3A_40 = arith.constant 0 : index
    %get3A_41 = vector.load %arg9[%get3A_39, %get3A_40] : memref<1000x2xf32, #tpu.memory_space<vmem>>, vector<1000x2xf32>
    %get3A_42 = arith.constant 0 : index
    %get3A_43 = arith.constant 0 : index
    %get3A_44 = vector.load %arg10[%get3A_42, %get3A_43] : memref<1x2xf32, #tpu.memory_space<vmem>>, vector<1x2xf32>
    %dot_general3A = arith.constant dense<0.000000e+00> : vector<1x1000xf32>
    %dot_general3A_45 = tpu.matmul %get3A_44, %get3A_41, %dot_general3A {dimension_numbers = #tpu.dot_dimension_numbers<[1], [1], [0], [0], [0, 0, 1, 0], [], []>, transpose_lhs_hint = false} : vector<1x2xf32>, vector<1000x2xf32>, vector<1x1000xf32> -> vector<1x1000xf32>
    %get3A_46 = arith.constant 0 : index
    %get3A_47 = arith.constant 0 : index
    %get3A_48 = vector.load %arg11[%get3A_46, %get3A_47] : memref<1x2xf32, #tpu.memory_space<vmem>>, vector<1x2xf32>
    %dot_general3A_49 = arith.constant dense<0.000000e+00> : vector<1x1000xf32>
    %dot_general3A_50 = tpu.matmul %get3A_48, %get3A_41, %dot_general3A_49 {dimension_numbers = #tpu.dot_dimension_numbers<[1], [1], [0], [0], [0, 0, 1, 0], [], []>, transpose_lhs_hint = false} : vector<1x2xf32>, vector<1000x2xf32>, vector<1x1000xf32> -> vector<1x1000xf32>
    %get3A_51 = arith.constant 0 : index
    %get3A_52 = arith.constant 0 : index
    %get3A_53 = memref.load %arg0[%get3A_51, %get3A_52] : memref<1x2xf32, #tpu.memory_space<smem>>
    %mul3A = vector.broadcast %get3A_53 : f32 to vector<1x1000xf32>
    %mul3A_54 = arith.mulf %div3A, %mul3A : vector<1x1000xf32>
    %get3A_55 = arith.constant 0 : index
    %get3A_56 = arith.constant 1 : index
    %get3A_57 = memref.load %arg0[%get3A_55, %get3A_56] : memref<1x2xf32, #tpu.memory_space<smem>>
    %mul3A_58 = vector.broadcast %get3A_57 : f32 to vector<1x1000xf32>
    %mul3A_59 = arith.mulf %div3A_32, %mul3A_58 : vector<1x1000xf32>
    %add3A = arith.addf %mul3A_54, %mul3A_59 : vector<1x1000xf32>
    %get3A_60 = arith.constant 0 : index
    %get3A_61 = memref.load %arg1[%get3A_60] : memref<1xf32, #tpu.memory_space<smem>>
    %add3A_62 = vector.broadcast %get3A_61 : f32 to vector<1x1000xf32>
    %add3A_63 = arith.addf %add3A, %add3A_62 : vector<1x1000xf32>
    %add3A_64 = arith.addf %add3A_63, %dot_general3A_45 : vector<1x1000xf32>
    %max3A_65 = arith.constant 0.000000e+00 : f32
    %max3A_66 = vector.broadcast %max3A_65 : f32 to vector<1x1000xf32>
    %max3A_67 = arith.maximumf %add3A_64, %max3A_66 : vector<1x1000xf32>
    %get3A_68 = arith.constant 0 : index
    %get3A_69 = arith.constant 0 : index
    %get3A_70 = memref.load %arg2[%get3A_68, %get3A_69] : memref<1x2xf32, #tpu.memory_space<smem>>
    %mul3A_71 = vector.broadcast %get3A_70 : f32 to vector<1x1000xf32>
    %mul3A_72 = arith.mulf %select_n3A, %mul3A_71 : vector<1x1000xf32>
    %get3A_73 = arith.constant 0 : index
    %get3A_74 = arith.constant 1 : index
    %get3A_75 = memref.load %arg2[%get3A_73, %get3A_74] : memref<1x2xf32, #tpu.memory_space<smem>>
    %mul3A_76 = vector.broadcast %get3A_75 : f32 to vector<1x1000xf32>
    %mul3A_77 = arith.mulf %select_n3A_38, %mul3A_76 : vector<1x1000xf32>
    %add3A_78 = arith.addf %mul3A_72, %mul3A_77 : vector<1x1000xf32>
    %get3A_79 = arith.constant 0 : index
    %get3A_80 = memref.load %arg3[%get3A_79] : memref<1xf32, #tpu.memory_space<smem>>
    %add3A_81 = vector.broadcast %get3A_80 : f32 to vector<1x1000xf32>
    %add3A_82 = arith.addf %add3A_78, %add3A_81 : vector<1x1000xf32>
    %add3A_83 = arith.addf %add3A_82, %dot_general3A_50 : vector<1x1000xf32>
    %max3A_84 = arith.constant 0.000000e+00 : f32
    %max3A_85 = vector.broadcast %max3A_84 : f32 to vector<1x1000xf32>
    %max3A_86 = arith.maximumf %add3A_83, %max3A_85 : vector<1x1000xf32>
    %add3A_87 = arith.addf %max3A_67, %max3A_86 : vector<1x1000xf32>
    %swap3A = arith.constant 0 : index
    %swap3A_88 = arith.constant 0 : index
    %swap3A_89 = vector.load %arg18[%swap3A, %swap3A_88] : memref<1x1000xf32, #tpu.memory_space<vmem>>, vector<1x1000xf32>
    tpu.vector_store %arg18[%swap3A, %swap3A_88], %add3A_87 {strides = array<i32>} : memref<1x1000xf32, #tpu.memory_space<vmem>>, vector<1x1000xf32>,
    tpu.wait_dma2 semaphore(%arg23 : memref<!tpu.dma_semaphore, #tpu.memory_space<semaphore_mem>>) src(%arg12 : memref<1000x1000xf32, #tpu.memory_space<any>>) dst(%arg20 : memref<1000x1000xf32, #tpu.memory_space<vmem>>)
    %get3A_90 = arith.constant 0 : index
    %get3A_91 = arith.constant 0 : index
    %get3A_92 = vector.load %arg20[%get3A_90, %get3A_91] : memref<1000x1000xf32, #tpu.memory_space<vmem>>, vector<1000x1000xf32>
    %dot_general3A_93 = arith.constant dense<0.000000e+00> : vector<1x1000xf32>
    %dot_general3A_94 = tpu.matmul %add3A_87, %get3A_92, %dot_general3A_93 {dimension_numbers = #tpu.dot_dimension_numbers<[1], [1], [0], [0], [0, 0, 1, 0], [], []>, transpose_lhs_hint = false} : vector<1x1000xf32>, vector<1000x1000xf32>, vector<1x1000xf32> -> vector<1x1000xf32>
    %get3A_95 = arith.constant 0 : index
    %get3A_96 = arith.constant 0 : index
    %get3A_97 = vector.load %arg13[%get3A_95, %get3A_96] : memref<1x1000xf32, #tpu.memory_space<vmem>>, vector<1x1000xf32>
    %add3A_98 = arith.addf %dot_general3A_94, %get3A_97 : vector<1x1000xf32>
    %max3A_99 = arith.constant 0.000000e+00 : f32
    %max3A_100 = vector.broadcast %max3A_99 : f32 to vector<1x1000xf32>
    %max3A_101 = arith.maximumf %add3A_98, %max3A_100 : vector<1x1000xf32>
    tpu.wait_dma2 semaphore(%arg24 : memref<!tpu.dma_semaphore, #tpu.memory_space<semaphore_mem>>) src(%arg14 : memref<1000x1000xf32, #tpu.memory_space<any>>) dst(%arg21 : memref<1000x1000xf32, #tpu.memory_space<vmem>>)
    %get3A_102 = arith.constant 0 : index
    %get3A_103 = arith.constant 0 : index
    %get3A_104 = vector.load %arg21[%get3A_102, %get3A_103] : memref<1000x1000xf32, #tpu.memory_space<vmem>>, vector<1000x1000xf32>
    %dot_general3A_105 = arith.constant dense<0.000000e+00> : vector<1x1000xf32>
    %dot_general3A_106 = tpu.matmul %max3A_101, %get3A_104, %dot_general3A_105 {dimension_numbers = #tpu.dot_dimension_numbers<[1], [1], [0], [0], [0, 0, 1, 0], [], []>, transpose_lhs_hint = false} : vector<1x1000xf32>, vector<1000x1000xf32>, vector<1x1000xf32> -> vector<1x1000xf32>
    %get3A_107 = arith.constant 0 : index
    %get3A_108 = arith.constant 0 : index
    %get3A_109 = vector.load %arg15[%get3A_107, %get3A_108] : memref<1x1000xf32, #tpu.memory_space<vmem>>, vector<1x1000xf32>
    %add3A_110 = arith.addf %dot_general3A_106, %get3A_109 : vector<1x1000xf32>
    %max3A_111 = arith.constant 0.000000e+00 : f32
    %max3A_112 = vector.broadcast %max3A_111 : f32 to vector<1x1000xf32>
    %max3A_113 = arith.maximumf %add3A_110, %max3A_112 : vector<1x1000xf32>
    tpu.wait_dma2 semaphore(%arg25 : memref<!tpu.dma_semaphore, #tpu.memory_space<semaphore_mem>>) src(%arg16 : memref<999x1000xf32, #tpu.memory_space<any>>) dst(%arg22 : memref<999x1000xf32, #tpu.memory_space<vmem>>)
    %get3A_114 = arith.constant 0 : index
    %get3A_115 = arith.constant 0 : index
    %get3A_116 = vector.load %arg22[%get3A_114, %get3A_115] : memref<999x1000xf32, #tpu.memory_space<vmem>>, vector<999x1000xf32>
    %dot_general3A_117 = arith.constant dense<0.000000e+00> : vector<1x999xf32>
    %dot_general3A_118 = tpu.matmul %max3A_113, %get3A_116, %dot_general3A_117 {dimension_numbers = #tpu.dot_dimension_numbers<[1], [1], [0], [0], [0, 0, 1, 0], [], []>, transpose_lhs_hint = false} : vector<1x1000xf32>, vector<999x1000xf32>, vector<1x999xf32> -> vector<1x999xf32>
    %get3A_119 = arith.constant 0 : index
    %get3A_120 = arith.constant 0 : index
    %get3A_121 = vector.load %arg17[%get3A_119, %get3A_120] : memref<1x999xf32, #tpu.memory_space<vmem>>, vector<1x999xf32>
    %add3A_122 = arith.addf %dot_general3A_118, %get3A_121 : vector<1x999xf32>
    %max3A_123 = arith.constant 0.000000e+00 : f32
    %max3A_124 = vector.broadcast %max3A_123 : f32 to vector<1x999xf32>
    %max3A_125 = arith.maximumf %add3A_122, %max3A_124 : vector<1x999xf32>
    %swap3A_126 = arith.constant 0 : index
    %swap3A_127 = arith.constant 0 : index
    %swap3A_128 = vector.load %arg19[%swap3A_126, %swap3A_127] : memref<1x999xf32, #tpu.memory_space<vmem>>, vector<1x999xf32>
    tpu.vector_store %arg19[%swap3A_126, %swap3A_127], %max3A_125 {strides = array<i32>} : memref<1x999xf32, #tpu.memory_space<vmem>>, vector<1x999xf32>,
    return
  }
}

</mosaic_0001>

<sc_bundles>
// kernel: kernel.4.cloned.1.call-start
scs
__scs_entry_jumppad:
0x0: {  	(pc) =	sbr.rel $0x88, $3  }
0x1: {  	(tag) =	ssettag $0x0;
	lr =	simm.s32 $0x1  }
0x2: {  	[smem:$0x3F93] =	sst lr;
	_ =	strace $0xD0000000  }
0x3: {  	_ = 	snop  }
0x4: {  	_ = 	snop  }
0x5: {  	_ = 	snop  }
0x6: {  	_ = 	snop  }
0x7: {  	_ = 	snop  }
__scs_overlays_trampoline_lowered:
0x8: {  	[smem:$0x3FA2] =	sst s0  }
0x9: {  	[smem:$0x3FA3] =	sst s1  }
0xa: {  	[smem:$0x3FA4] =	sst s2  }
0xb: {  	[smem:$0x3FA5] =	sst s3  }
0xc: {  	[smem:$0x3FA6] =	sst s4  }
0xd: {  	[smem:$0x3FA7] =	sst s5  }
0xe: {  	[smem:$0x3FA8] =	sst s6  }
0xf: {  	[smem:$0x3FA9] =	sst s7  }
0x10: {  	[smem:$0x3FAA] =	sst s8  }
0x11: {  	[smem:$0x3FAB] =	sst s9;
	s0 =	simm.s32 @!p0 $0x0  }
0x12: {  	s1 =	sld [smem:$0x3F91];
	s0 =	simm.s32 @p0 $0x1  }
0x13: {  	[smem:$0x3FAC] =	sst s0;
	s0 =	simm.s32 @!p1 $0x0  }
0x14: {  	s2 =	sld [smem:$0x3F90];
	s0 =	simm.s32 @p1 $0x1  }
0x15: {  	[smem:$0x3FAD] =	sst s0;
	s0 =	simm.s32 @!p2 $0x0  }
0x16: {  	s3 =	sld [smem:$0x3FDB];
	s0 =	simm.s32 @p2 $0x1  }
0x17: {  	s4 =	simm.s32 $0x1BF5;
	[smem:$0x3FAF] =	sst s0  }
0x18: {  	s0 =	sld [smem:$0x3F92];
	_ =	swait.ge [sflag:s4], $0x0  }
0x19: {  	s7 =	sld [smem:$0x3F93]  }
0x1a: {  	s8 =	sadd.s32 $0xFFFFE003, lr  }
0x1b: {  	s9 =	sadd.s32 $0xFFFFFEF7, lr;
	s5 =	simm.s32 $0xFFFFFFFF;
	p2 =	slt.u32 s8, $0xFFFFF086  }
0x1c: {  	p1 =	slt.u32 s9, $0xF7A;
	s5 =	simm.s32 @!p2 $0x0  }
0x1d: {  	s5 =	simm.s32 @p1 $0x1;
	p0 =	seq.s32 s7, s2  }
0x1e: {  	s7 =	smul.u32 @!p0 $0xF7A, s2;
	p2 =	seq.s32 @!p0 s5, $0x0  }
0x1f: {  	s9 =	smul.u32 $0xF7A, s1;
	s8 =	simm.s32 @!p0 $0x1BF5;
	p2 =	por !p2, p0  }
0x20: {  	[sflag:s8] =	ssyncset.s32 @!p0 $0xFFFFF086;
	s6 =	sadd.s32 @!p0 s3, s7;
	s7 =	simm.s32 @!p0 $0x108  }
0x21: {  	s3 =	sadd.s32 s3, s9;
	s6 =	sadd.s32 @!p0 $0x88, s6;
	s7 =	simm.s32 @p2 $0x1082  }
0x22: {  	[simem:s7], [sflag:s8] =	dma.local @!p0 [hbm:s6], $0xF7A  }
0x23: {  	s9 =	sor.u32 $0xD0000000, s2;
	s6 =	simm.s32 $0x108;
	_ =	swait.ge @!p0 [sflag:s8], $0x0  }
0x24: {  	s3 =	sadd.s32 $0x88, s3;
	s6 =	simm.s32 @!p1 $0x1082;
	[sflag:s4] =	ssyncset.s32 $0xFFFFF086  }
0x25: {  	[simem:s6], [sflag:s4] =	dma.local [hbm:s3], $0xF7A  }
0x26: {  	[smem:$0x3F93] =	sst s1;
	(tag) =	ssettag s2;
	_ =	strace s9  }
0x27: {  	s1 =	sld [smem:$0x3FA3]  }
0x28: {  	s2 =	sld [smem:$0x3FA4]  }
0x29: {  	s4 =	sld [smem:$0x3FA6]  }
0x2a: {  	p0 =	seq.s32 s5, $0x0;
	s5 =	sld [smem:$0x3FA7]  }
0x2b: {  	s6 =	sld [smem:$0x3FA8]  }
0x2c: {  	s7 =	sld [smem:$0x3FA9]  }
0x2d: {  	s3 =	simm.s32 $0x108;
	s8 =	sld [smem:$0x3FAA]  }
0x2e: {  	s3 =	simm.s32 @!p0 $0x1082;
	s9 =	sld [smem:$0x3FAB]  }
0x2f: {  	lr =	sadd.s32 s0, s3;
	s0 =	sld [smem:$0x3FA2]  }
0x30: {  	s3 =	sld [smem:$0x3FA5]  }
0x31: {  	[smem:$0x3FAE] =	sst s10  }
0x32: {  	s10 =	sld [smem:$0x3FAC];
	_ =	sdelay $0x3  }
0x33: {  	p0 =	seq.s32 s10, $0x1;
	s10 =	sld [smem:$0x3FAE];
	_ =	sdelay $0x3  }
0x34: {  	[smem:$0x3FAE] =	sst s10  }
0x35: {  	s10 =	sld [smem:$0x3FAD];
	_ =	sdelay $0x3  }
0x36: {  	p1 =	seq.s32 s10, $0x1;
	s10 =	sld [smem:$0x3FAE];
	_ =	sdelay $0x3  }
0x37: {  	[smem:$0x3FAE] =	sst s10  }
0x38: {  	s10 =	sld [smem:$0x3FAF]  }
0x39: {  	_ = 	snop;
	(pc) =	sbr.ind lr, $3  }
0x3a: {  	_ = 	snop  }
0x3b: {  	_ = 	snop  }
0x3c: {  	p2 =	seq.s32 s10, $0x1;
	s10 =	sld [smem:$0x3FAE]  }
0x3d: {  	_ =	shalt  }
0x3e: {  	_ =	shalt  }
0x3f: {  	_ =	shalt  }
0x40: {  	_ =	shalt  }
0x41: {  	_ =	shalt  }
0x42: {  	_ =	shalt  }
0x43: {  	_ =	shalt  }
0x44: {  	_ =	shalt  }
0x45: {  	_ =	shalt  }
0x46: {  	_ =	shalt  }
0x47: {  	_ =	shalt  }
0x48: {  	_ =	shalt  }
0x49: {  	_ =	shalt  }
0x4a: {  	_ =	shalt  }
0x4b: {  	_ =	shalt  }
0x4c: {  	_ =	shalt  }
0x4d: {  	_ =	shalt  }
0x4e: {  	_ =	shalt  }
0x4f: {  	_ =	shalt  }
0x50: {  	_ =	shalt  }
0x51: {  	_ =	shalt  }
0x52: {  	_ =	shalt  }
0x53: {  	_ =	shalt  }
0x54: {  	_ =	shalt  }
0x55: {  	_ =	shalt  }
0x56: {  	_ =	shalt  }
0x57: {  	_ =	shalt  }
0x58: {  	_ =	shalt  }
0x59: {  	_ =	shalt  }
0x5a: {  	_ =	shalt  }
0x5b: {  	_ =	shalt  }
0x5c: {  	_ =	shalt  }
0x5d: {  	_ =	shalt  }
0x5e: {  	_ =	shalt  }
0x5f: {  	_ =	shalt  }
0x60: {  	_ =	shalt  }
0x61: {  	_ =	shalt  }
0x62: {  	_ =	shalt  }
0x63: {  	_ =	shalt  }
0x64: {  	_ =	shalt  }
0x65: {  	_ =	shalt  }
0x66: {  	_ =	shalt  }
0x67: {  	_ =	shalt  }
0x68: {  	_ =	shalt  }
0x69: {  	_ =	shalt  }
0x6a: {  	_ =	shalt  }
0x6b: {  	_ =	shalt  }
0x6c: {  	_ =	shalt  }
0x6d: {  	_ =	shalt  }
0x6e: {  	_ =	shalt  }
0x6f: {  	_ =	shalt  }
0x70: {  	_ =	shalt  }
0x71: {  	_ =	shalt  }
0x72: {  	_ =	shalt  }
0x73: {  	_ =	shalt  }
0x74: {  	_ =	shalt  }
0x75: {  	_ =	shalt  }
0x76: {  	_ =	shalt  }
0x77: {  	_ =	shalt  }
0x78: {  	_ =	shalt  }
0x79: {  	_ =	shalt  }
0x7a: {  	_ =	shalt  }
0x7b: {  	_ =	shalt  }
0x7c: {  	_ =	shalt  }
0x7d: {  	_ =	shalt  }
0x7e: {  	_ =	shalt  }
0x7f: {  	_ =	shalt  }
0x80: {  	_ =	shalt  }
0x81: {  	_ =	shalt  }
0x82: {  	_ =	shalt  }
0x83: {  	_ =	shalt  }
0x84: {  	_ =	shalt  }
0x85: {  	_ =	shalt  }
0x86: {  	_ =	shalt  }
0x87: {  	_ =	shalt  }
.Lfunc_end0:
.L_simem_size_0:
called_computation_lowered:
.L_overlay_start_0:
0x88: {  	s2 =	sld [smem:$0x3FD9]  }
0x89: {  	s3 =	sld [smem:$0x3FFE];
	_ =	sdelay $0x1  }
0x8a: {  	s1 =	srdreg.scid  }
0x8b: {  	s0 =	sand.u32 $0x1, s1  }
0x8c: {  	s16 =	sshll.u32 s0, $0xA;
	s2 =	sadd.s32 s3, s2  }
0x8d: {  	s2 =	sadd.s32 s2, s16  }
0x8e: {  	[smem:$0x3FBA] =	sst s2  }
0x8f: {  	_ = 	snop  }
0x90: {  	(tm) =	ssettm $0x1  }
0x91: {  	s17 =	sld [smem:$0x3FFB];
	_ =	sdelay $0x3  }
0x92: {  	_ =	strace s17  }
0x93: {  	s2 =	sld [smem:$0x3FFC];
	_ =	sdelay $0x3  }
0x94: {  	_ =	strace s2  }
0x95: {  	s2 =	sld [smem:$0x3FFD];
	_ =	sdelay $0x3  }
0x96: {  	_ =	strace s2  }
0x97: {  	_ =	strace $0x8FFFFFFF  }
0x98: {  	s18 =	sld [smem:$0x3FDB];
	_ =	sdelay $0x1  }
0x99: {  	s19 =	simm.s32 $_scs_section_size  }
0x9a: {  	s4 =	simm.s32 $_size__tile_overlayer_lowered;
	s5 =	simm.s32 $_tile_overlayer_lowered  }
0x9b: {  	s22 =	simm.s32 $0x1BFF;
	s21 =	sshll.u32 s5, $0x1;
	s2 =	sadd.s32 s19, s18  }
0x9c: {  	s6 =	simm.s32 $0x0;
	s20 =	sshll.u32 s4, $0x1;
	s4 =	sadd.s32 s21, s2  }
0x9d: {  	[timem:s6], [sflag:s22] =	dma.local [hbm:s4], s20  }
0x9e: {  	_ =	swait.ge [sflag:s22], s20  }
0x9f: {  	s3 =	ssub.s32 $0x0, s20;
	[sflag:s22] =	ssyncset.done $0x0  }
0xa0: {  	[sflag:s22] =	ssyncadd.s32 s3;
	_ =	sdelay $0x1  }
0xa1: {  	s23 =	simm.s32 $0x1B8B  }
0xa2: {  	_ =	swait.ge [sflag:s23], $0x1  }
0xa3: {  	[sflag:s23] =	ssyncset.done $0x0  }
0xa4: {  	s25 =	simm.s32 $0x1B8E;
	s24 =	sld [smem:$0x3FFE];
	[sflag:s23] =	ssyncadd.s32 $0xFFFFFFFF  }
0xa5: {  	s26 =	simm.s32 $execute0_lowered;
	[smem:$0x3FD2] =	sst s25  }
0xa6: {  	s4 =	sshll.u32 s26, $0x1;
	_ =	strace $0x80000046;
	[dreg:$0x1] =	wrdreg $0xFFFFFFFF  }
0xa7: {  	s28 =	simm.s32 $_size_execute0_lowered;
	s2 =	sadd.s32 s2, s4;
	[dreg:$0x0] =	wrdreg $0x0  }
0xa8: {  	s4 =	sshll.u32 s28, $0x1;
	[dreg:$0x2] =	wrdreg s2  }
0xa9: {  	[dreg:$0x3] =	wrdreg s4  }
0xaa: {  	[dreg:$0x4] =	wrdreg $0xC0  }
0xab: {  	_ =	task [dreg:s6], $0x5FFFF  }
0xac: {  	[dreg:$0x1] =	wrdreg $0xFFFFFFFF  }
0xad: {  	[dreg:$0x0] =	wrdreg $0x60  }
0xae: {  	[dreg:$0x2] =	wrdreg s24  }
0xaf: {  	[dreg:$0x3] =	wrdreg $0x9  }
0xb0: {  	_ =	task.clear_ibuf [dreg:s6], $0x4FFFF;
	_ =	strace $0x90000046  }
0xb1: {  	s29 =	simm.s32 $0x9;
	_ =	strace $0x80000048  }
0xb2: {  	_ =	swait.ge [sflag:s29], $0x1  }
0xb3: {  	[sflag:s29] =	ssyncadd.s32 $0xFFFFFFFF  }
0xb4: {  	_ =	strace $0x90000048  }
0xb5: {  	_ =	sfence  }
0xb6: {  	s30 =	sld [smem:$0x0];
	_ =	sdelay $0x2  }
0xb7: {  	s31 =	sshll.u32 s1, $0xD;
	s1 =	sshrl.u32 s1, $0x2  }
0xb8: {  	s3 =	sand.u32 $0x4000, s31;
	s1 =	sadd.s32 s1, s30  }
0xb9: {  	s0 =	sor.u32 s3, s0;
	s1 =	sshll.u32 s1, $0x11  }
0xba: {  	s0 =	sor.u32 s1, s0  }
0xbb: {  	s0 =	sadd.s32 $0x8F2B, s0  }
0xbc: {  	[sflag:s0] =	ssyncadd.remote.s32 $0x1  }
0xbd: {  	_ =	sfence.sel $0xFFFF  }
0xbe: {  	[dreg:$0x0] =	wrdreg $0xFFFFFFFF;
	(pc) =	sbr.abs _section_cstart, $3  }
0xbf: {  	[dreg:$0x1] =	wrdreg $0xFFFFFFFF  }
0xc0: {  	_ =	task.clear_ibuf [dreg:s6], $0x2FFFF;
	_ =	strace $0x9FFFFFFF  }
0xc1: {  	(tm) =	ssettm $0x7FFFFFFF  }
tec
execute0_lowered:
.L_overlay_start_1:
0x0: {  	(tag) =	ssettag $0x1  }
0x1: {  	s1 =	srdreg.scid  }
0x2: {  	s0 =	stileid.u32;
	s4 =	rddreg [dreg:$0x0];
	s2 =	simm.s32 $0x0  }
0x3: {  	s12 =	simm.s32 $0x800;
	s13 =	simm.s32 $0x1000;
	s14 =	simm.s32 $0x1  }
0x4: {  	s15 =	simm.s32 $0x2;
	s16 =	simm.s32 $0x3;
	s17 =	simm.s32 $0x1800  }
0x5: {  	s18 =	simm.s32 $0x1C00;
	s19 =	simm.s32 $0x2000;
	s20 =	simm.s32 $0x2400  }
0x6: {  	s21 =	simm.s32 $0x3400;
	s22 =	simm.s32 $0x80;
	s23 =	simm.s32 $0x400  }
0x7: {  	s24 =	simm.s32 $0x4;
	s1 =	sand.u32 $0x1, s1;
	s3 =	sshll.u32 s0, $0x1  }
0x8: {  	s25 =	simm.s32 $0x0;
	[smem:$0x7FF] =	sst s2;
	s3 =	sor.u32 s1, s3  }
0x9: {  	s6 =	sshll.u32 s0, $0x8;
	s1 =	ssub.s32 $0x2, s1;
	s5 =	smul.u32 $0x7D0, s3  }
0xa: {  	_ =	strace $0x80000047;
	s3 =	sshll.u32 s3, $0x4;
	s7 =	sshrl.u32 s1, $0x1  }
0xb: {  	s6 =	sor.u32 s6, s3;
	s3 =	sadd.s32 $0x2800, s4;
	s5 =	sshrl.u32 s5, $0x3  }
0xc: {  	s1 =	ssub.s32 s1, s7;
	s6 =	sand.u32 $0xC70, s6;
	s5 =	sadd.s32 s5, s4  }
0xd: {  	s11 =	smax.u32 s1, $0x1;
	s10 =	sadd.s32 s6, s4;
	s4 =	sadd.s32 $0x2A00, s5  }
0xe: {  	s5 =	sadd.s32 $0x4940, s5;
	s6 =	sadd.s32 $0x6A00, s10;
	s7 =	sadd.s32 $0x7A00, s10  }
0xf: {  	v0 =	vimm.f32 $0.0e+00;
	v1 =	vimm.f32 $-3.000000010e+38;
	v2 =	vimm.f32 $1.000000000e+00;
	s8 =	sadd.s32 $0x8A00, s10;
	s9 =	sadd.s32 $0x9A00, s10;
	s10 =	sadd.s32 $0xAA00, s10  }
.LBB2_1:
0x10: {  	[tilespmem:s2], [sflag:$0x1] =	stream.linear.gather [hbm4b:s4+s2], $0x7D0, $0x38;
	[tilespmem:$0x4400] =	vst v63  }
0x11: {  	_ = 	snop  }
0x12: {  	[tilespmem:s12], [sflag:$0x2] =	stream.linear.gather [hbm4b:s5+s2], $0x7D0, $0x38;
	[tilespmem:$0x4400] =	vst v63  }
0x13: {  	s1 =	simm.s32 $0x1810  }
0x14: {  	[tilespmem:s13], [sflag:$0x3] =	stream.linear.gather [hbm4b:s3+s2], $0x800, $0x38;
	[tilespmem:$0x4400] =	vst v63  }
0x15: {  	[tilespmem:s1+$0xFFFFFFF0] =	vst v0  }
0x16: {  	s29 =	simm.s32 $0x1C10;
	[tilespmem:s1+$0x0] =	vst v0  }
0x17: {  	[tilespmem:s29+$0x0] =	vst v0  }
0x18: {  	s30 =	simm.s32 $0x2010;
	s31 =	simm.s32 $0x1830;
	[tilespmem:s29+$0xFFFFFFF0] =	vst v0  }
0x19: {  	s26 =	simm.s32 $0x3410;
	s28 =	simm.s32 $0x2410;
	s1 =	simm.s32 $0x0;
	[tilespmem:s30+$0xFFFFFFF0] =	vst v0  }
.LBB2_2:
0x1a: {  	s1 =	sadd.s32 $0x2, s1  }
0x1b: {  	[tilespmem:s30+$0x0] =	vst v0;
	s30 =	sadd.s32 $0x20, s30;
	s29 =	sadd.s32 $0x20, s29;
	p0 =	slt.u32 s1, $0x3E  }
.Ltmp0:
0x1c: {  	[tilespmem:s31+$0xFFFFFFF0] =	vst v0;
	(pc) =	sbr.rel @p0 .LBB2_2-.Ltmp0, $4  }
0x1d: {  	[tilespmem:s31+$0x0] =	vst v0  }
0x1e: {  	[tilespmem:s29+$0x0] =	vst v0  }
0x1f: {  	[tilespmem:s29+$0xFFFFFFF0] =	vst v0  }
0x20: {  	s31 =	sadd.s32 $0x20, s31;
	[tilespmem:s30+$0xFFFFFFF0] =	vst v0  }
0x21: {  	[tilespmem:s30+$0x0] =	vst v0  }
0x22: {  	[tilespmem:s28+$0x0] =	vst v1  }
0x23: {  	[tilespmem:s28+$0xFFFFFFF0] =	vst v1  }
0x24: {  	s1 =	simm.s32 $0x0;
	[tilespmem:s26+$0xFFFFFFF0] =	vst v1  }
.LBB2_4:
0x25: {  	s1 =	sadd.s32 $0x2, s1  }
0x26: {  	[tilespmem:s26+$0x0] =	vst v1;
	s26 =	sadd.s32 $0x20, s26;
	s28 =	sadd.s32 $0x20, s28;
	p0 =	slt.u32 s1, $0xFE  }
.Ltmp1:
0x27: {  	(pc) =	sbr.rel @p0 .LBB2_4-.Ltmp1, $4  }
0x28: {  	_ = 	snop  }
0x29: {  	[tilespmem:s28+$0x0] =	vst v1  }
0x2a: {  	[tilespmem:s28+$0xFFFFFFF0] =	vst v1  }
0x2b: {  	[tilespmem:s26+$0xFFFFFFF0] =	vst v1  }
0x2c: {  	[tilespmem:s26+$0x0] =	vst v1  }
0x2d: {  	_ =	swait.ge [sflag:s14], $0x7D0  }
0x2e: {  	[sflag:s14] =	ssyncset.done $0x0  }
0x2f: {  	[sflag:s14] =	ssyncadd.s32 $0xFFFFF830  }
0x30: {  	_ =	swait.ge [sflag:s15], $0x7D0  }
0x31: {  	[sflag:s15] =	ssyncset.done $0x0  }
0x32: {  	[sflag:s15] =	ssyncadd.s32 $0xFFFFF830  }
0x33: {  	_ =	swait.ge [sflag:s16], $0x800  }
0x34: {  	[sflag:s16] =	ssyncset.done $0x0  }
0x35: {  	s1 =	simm.s32 $0x10;
	[sflag:s16] =	ssyncadd.s32 $0xFFFFF800  }
0x36: {  	v3 =	vld [tilespmem:s1+$0x0];
	_ =	sdelay $0x4  }
0x37: {  	v3 =	vshll.u32 v3, $0x1;
	_ =	sdelay $0x2  }
0x38: {  	v4 =	vld [tilespmem:s1+$0xFFFFFFF0];
	s1 =	simm.s32 $0x810  }
0x39: {  	v6 =	vld [tilespmem:s1+$0x0]  }
0x3a: {  	v5 =	vld.idx.msk [tilespmem:v3+s13+$0x0], $0xffff;
	_ =	sdelay $0x1  }
0x3b: {  	v3 =	vor.u32 $0x1, v3  }
0x3c: {  	s26 =	simm.s32 $0x30;
	v4 =	vshll.u32 v4, $0x1  }
0x3d: {  	v8 =	vld [tilespmem:s26+$0x0]  }
0x3e: {  	v9 =	vld [tilespmem:s26+$0xFFFFFFF0];
	(xrf1) =	vsort.ascd.msk.f32 $0xffff, v5, v6  }
0x3f: {  	v10 =	vld [tilespmem:s1+$0xFFFFFFF0]  }
0x40: {  	v3 =	vld.idx.msk [tilespmem:v3+s13+$0x0], $0xffff  }
0x41: {  	v7 =	vld.idx.msk [tilespmem:v4+s13+$0x0], $0xffff  }
0x42: {  	v4 =	vor.u32 $0x1, v4  }
0x43: {  	v8 =	vshll.u32 v8, $0x1  }
0x44: {  	s28 =	simm.s32 $0x50  }
0x45: {  	v16 =	vld [tilespmem:s28+$0x0];
	s1 =	simm.s32 $0x830;
	(xrf1) =	vsort.ascd.msk.f32 $0xffff, v3, v6  }
0x46: {  	v12 =	vld [tilespmem:s1+$0x0];
	v9 =	vshll.u32 v9, $0x1;
	(xrf1) =	vsort.ascd.msk.f32 $0xffff, v7, v10  }
0x47: {  	v4 =	vld.idx.msk [tilespmem:v4+s13+$0x0], $0xffff  }
0x48: {  	s29 =	simm.s32 $0x70;
	v11 =	vld.idx.msk [tilespmem:v8+s13+$0x0], $0xffff;
	v8 =	vor.u32 $0x1, v8  }
0x49: {  	v25 =	vld [tilespmem:s29+$0x0]  }
0x4a: {  	v17 =	vld [tilespmem:s1+$0xFFFFFFF0]  }
0x4b: {  	s26 =	simm.s32 $0x400;
	v14 =	vld.idx.msk [tilespmem:v9+s13+$0x0], $0xffff  }
0x4c: {  	s26 =	sand.u32 $0xC00, s26;
	[tilespmem:v6+s17+$0x0] =	vst.idx.add.f32.msk $0xffff, v5;
	(xrf1) =	vsort.ascd.msk.f32 $0xffff, v4, v10;
	v13, v15, _ =	vpop (xrf1)  }
0x4d: {  	v5 =	vld.idx.msk [tilespmem:v8+s13+$0x0], $0xffff;
	(xrf1) =	vsort.ascd.msk.f32 $0xffff, v11, v12;
	v15 =	vadd.s32 s26, v15  }
0x4e: {  	[tilespmem:v10+s17+$0x0] =	vst.idx.add.f32.msk $0xffff, v7  }
0x4f: {  	[tilespmem:v12+s17+$0x0] =	vst.idx.add.f32.msk $0xffff, v11  }
0x50: {  	v8 =	vor.u32 $0x1, v9;
	[tilespmem:v6+s18+$0x0] =	vst.idx.add.f32.msk $0xffff, v3  }
0x51: {  	[tilespmem:v6+s19+$0x0] =	vst.idx.add.f32.msk $0xffff, v2  }
0x52: {  	v3 =	vld.idx.msk [tilespmem:v15+s20+$0x0], $0xffff  }
0x53: {  	v6 =	vld [tilespmem:s28+$0xFFFFFFF0];
	v7 =	vshll.u32 v16, $0x1;
	v19, v9, _ =	vpop (xrf1);
	(xrf1) =	vsort.ascd.msk.f32 $0xffff, v5, v12  }
0x54: {  	[tilespmem:v10+s18+$0x0] =	vst.idx.add.f32.msk $0xffff, v4;
	v21 =	vadd.s32 s26, v9;
	v18, v9, _ =	vpop (xrf1);
	(xrf1) =	vsort.ascd.msk.f32 $0xffff, v14, v17  }
0x55: {  	v22 =	vld.idx.msk [tilespmem:v8+s13+$0x0], $0xffff;
	s28 =	simm.s32 $0x0  }
0x56: {  	[tilespmem:v12+s18+$0x0] =	vst.idx.add.f32.msk $0xffff, v5;
	s1 =	sand.u32 $0x800, s28  }
0x57: {  	[tilespmem:v10+s19+$0x0] =	vst.idx.add.f32.msk $0xffff, v2;
	v20 =	vadd.s32 s1, v9;
	v3 =	vmax.f32 v3, v13  }
0x58: {  	v4 =	vshll.u32 v6, $0x1;
	s26 =	simm.s32 $0x850;
	v9 =	vld.idx.msk [tilespmem:v7+s13+$0x0], $0xffff  }
0x59: {  	v11 =	vor.u32 $0x1, v4;
	v8 =	vld [tilespmem:s26+$0x0]  }
0x5a: {  	v27 =	vld [tilespmem:s29+$0xFFFFFFF0];
	s28 =	simm.s32 $0xC00;
	[tilespmem:v15+s20+$0x0] =	vst.idx.msk $0xffff, v3;
	v3, v13, _ =	vpop (xrf1)  }
0x5b: {  	[tilespmem:v12+s19+$0x0] =	vst.idx.add.f32.msk $0xffff, v2;
	s28 =	sand.u32 $0xC00, s28;
	v7 =	vor.u32 $0x1, v7;
	v24, v15, _ =	vpop (xrf1)  }
0x5c: {  	v10 =	vld.idx.msk [tilespmem:v20+s20+$0x0], $0xffff;
	v26 =	vadd.s32 s28, v15  }
0x5d: {  	v6 =	vld.idx.msk [tilespmem:v4+s13+$0x0], $0xffff;
	(xrf1) =	vsort.ascd.msk.f32 $0xffff, v22, v17  }
0x5e: {  	v16 =	vld.idx.msk [tilespmem:v11+s13+$0x0], $0xffff;
	(xrf1) =	vsort.ascd.msk.f32 $0xffff, v9, v8  }
0x5f: {  	v23 =	vld.idx.msk [tilespmem:v21+s21+$0x0], $0xffff  }
0x60: {  	v15 =	vld.idx.msk [tilespmem:v7+s13+$0x0], $0xffff  }
0x61: {  	v4 =	vadd.s32 s1, v13;
	s1 =	simm.s32 $0x800;
	v5 =	vmax.f32 v10, v18;
	v7, v10, _ =	vpop (xrf1);
	v12 =	vld.idx.msk [tilespmem:v26+s20+$0x0], $0xffff  }
0x62: {  	v13 =	vld [tilespmem:s26+$0xFFFFFFF0];
	s1 =	sand.u32 $0x800, s1;
	[tilespmem:v20+s20+$0x0] =	vst.idx.msk $0xffff, v5;
	v5 =	vadd.s32 s28, v10;
	v11, v10, _ =	vpop (xrf1)  }
0x63: {  	v10 =	vadd.s32 s1, v10  }
0x64: {  	[tilespmem:v17+s17+$0x0] =	vst.idx.add.f32.msk $0xffff, v14  }
0x65: {  	v25 =	vshll.u32 v25, $0x1;
	[tilespmem:v17+s18+$0x0] =	vst.idx.add.f32.msk $0xffff, v22  }
0x66: {  	v27 =	vshll.u32 v27, $0x1;
	[tilespmem:v17+s19+$0x0] =	vst.idx.add.f32.msk $0xffff, v2;
	(xrf1) =	vsort.ascd.msk.f32 $0xffff, v15, v8;
	v12 =	vmax.f32 v12, v24  }
0x67: {  	v17 =	vld.idx.msk [tilespmem:v4+s21+$0x0], $0xffff;
	(xrf1) =	vsort.ascd.msk.f32 $0xffff, v6, v13;
	[tilespmem:v26+s20+$0x0] =	vst.idx.msk $0xffff, v12;
	v12 =	vmax.f32 v23, v19  }
0x68: {  	v20 =	vld.idx.msk [tilespmem:v10+s20+$0x0], $0xffff  }
0x69: {  	(xrf1) =	vsort.ascd.msk.f32 $0xffff, v16, v13;
	v18 =	vld.idx.msk [tilespmem:v5+s21+$0x0], $0xffff  }
0x6a: {  	s28 =	simm.s32 $0x870;
	v23 =	vld.idx.msk [tilespmem:v25+s13+$0x0], $0xffff;
	v25 =	vor.u32 $0x1, v25  }
0x6b: {  	s30 =	simm.s32 $0x90;
	s26 =	simm.s32 $0x1400;
	v24 =	vld [tilespmem:s28+$0x0];
	[tilespmem:v21+s21+$0x0] =	vst.idx.msk $0xffff, v12;
	v14, v12, _ =	vpop (xrf1)  }
0x6c: {  	s29 =	simm.s32 $0x6;
	v22 =	vor.u32 $0x1, v27;
	s31 =	sand.u32 $0xC00, s26;
	v21 =	vld.idx.msk [tilespmem:v27+s13+$0x0], $0xffff;
	v12 =	vadd.s32 s1, v12;
	s1 =	simm.s32 $0x1000;
	v19, v26, _ =	vpop (xrf1)  }
.LBB2_6:
0x6d: {  	v27 =	vld [tilespmem:s30+$0x0];
	s1 =	sand.u32 $0x800, s1;
	v26 =	vadd.s32 s31, v26;
	v17 =	vmax.f32 v17, v3;
	v3 =	vmov v14  }
0x6e: {  	v7 =	vmax.f32 v18, v7;
	[tilespmem:v8+s17+$0x0] =	vst.idx.add.f32.msk $0xffff, v9  }
0x6f: {  	v11 =	vmax.f32 v20, v11;
	v14 =	vld.idx.msk [tilespmem:v25+s13+$0x0], $0xffff;
	[tilespmem:v5+s21+$0x0] =	vst.idx.msk $0xffff, v7  }
0x70: {  	v9 =	vmov v23;
	(xrf1) =	vsort.ascd.msk.f32 $0xffff, v23, v24;
	[tilespmem:v8+s18+$0x0] =	vst.idx.add.f32.msk $0xffff, v15  }
0x71: {  	[tilespmem:v8+s19+$0x0] =	vst.idx.add.f32.msk $0xffff, v2;
	v8 =	vmov v24  }
0x72: {  	s29 =	sadd.s32 $0x2, s29;
	v18 =	vld.idx.msk [tilespmem:v26+s20+$0x0], $0xffff;
	[tilespmem:v10+s20+$0x0] =	vst.idx.msk $0xffff, v11  }
0x73: {  	p0 =	slt.u32 s29, $0x7A;
	v20 =	vld [tilespmem:s30+$0xFFFFFFF0];
	[tilespmem:v4+s21+$0x0] =	vst.idx.msk $0xffff, v17;
	v4 =	vmov v12  }
0x74: {  	v23 =	vld [tilespmem:s28+$0xFFFFFFF0];
	v7, v5, _ =	vpop (xrf1)  }
0x75: {  	v15 =	vmov v14;
	v24 =	vld.idx.msk [tilespmem:v22+s13+$0x0], $0xffff;
	v5 =	vadd.s32 s31, v5;
	v11, v10, _ =	vpop (xrf1)  }
0x76: {  	[tilespmem:v13+s17+$0x0] =	vst.idx.add.f32.msk $0xffff, v6;
	v10 =	vadd.s32 s1, v10;
	v6 =	vmov v21  }
0x77: {  	v21 =	vshll.u32 v27, $0x1;
	[tilespmem:v13+s18+$0x0] =	vst.idx.add.f32.msk $0xffff, v16;
	v14, v12, _ =	vpop (xrf1)  }
0x78: {  	v16 =	vmax.f32 v18, v19;
	v27 =	vshll.u32 v20, $0x1;
	(xrf1) =	vsort.ascd.msk.f32 $0xffff, v15, v8;
	[tilespmem:v13+s19+$0x0] =	vst.idx.add.f32.msk $0xffff, v2  }
0x79: {  	v12 =	vadd.s32 s1, v12;
	v22 =	vor.u32 $0x1, v27;
	(xrf1) =	vsort.ascd.msk.f32 $0xffff, v6, v23;
	[tilespmem:v26+s20+$0x0] =	vst.idx.msk $0xffff, v16;
	v17 =	vld.idx.msk [tilespmem:v4+s21+$0x0], $0xffff  }
.Ltmp2:
0x7a: {  	v13 =	vmov v23;
	v18 =	vld.idx.msk [tilespmem:v5+s21+$0x0], $0xffff;
	(pc) =	sbr.rel @p0 .LBB2_6-.Ltmp2, $4  }
0x7b: {  	v16 =	vmov v24;
	(xrf1) =	vsort.ascd.msk.f32 $0xffff, v24, v13;
	v20 =	vld.idx.msk [tilespmem:v10+s20+$0x0], $0xffff  }
0x7c: {  	s28 =	sadd.s32 $0x20, s28;
	v25 =	vor.u32 $0x1, v21;
	v23 =	vld.idx.msk [tilespmem:v21+s13+$0x0], $0xffff  }
0x7d: {  	s26 =	sadd.s32 $0x800, s26;
	v24 =	vld [tilespmem:s28+$0x0]  }
0x7e: {  	s30 =	sadd.s32 $0x20, s30;
	s31 =	sand.u32 $0xC00, s26;
	s1 =	sadd.s32 $0xFFFFFC00, s26;
	v21 =	vld.idx.msk [tilespmem:v27+s13+$0x0], $0xffff;
	v19, v26, _ =	vpop (xrf1)  }
0x7f: {  	_ =	sdelay $0x3  }
0x80: {  	v25 =	vld.idx.msk [tilespmem:v25+s13+$0x0], $0xffff  }
0x81: {  	v27 =	vld [tilespmem:s28+$0xFFFFFFF0];
	_ =	sdelay $0x2  }
0x82: {  	(xrf1) =	vsort.ascd.msk.f32 $0xffff, v23, v24  }
0x83: {  	(xrf1) =	vsort.ascd.msk.f32 $0xffff, v25, v24  }
0x84: {  	(xrf1) =	vsort.ascd.msk.f32 $0xffff, v21, v27;
	_ =	sdelay $0x1  }
0x85: {  	v22 =	vld.idx.msk [tilespmem:v22+s13+$0x0], $0xffff;
	_ =	sdelay $0x2  }
0x86: {  	[tilespmem:v8+s17+$0x0] =	vst.idx.add.f32.msk $0xffff, v9  }
0x87: {  	[tilespmem:v13+s17+$0x0] =	vst.idx.add.f32.msk $0xffff, v6  }
0x88: {  	v26 =	vadd.s32 s31, v26;
	[tilespmem:v8+s18+$0x0] =	vst.idx.add.f32.msk $0xffff, v15;
	(xrf1) =	vsort.ascd.msk.f32 $0xffff, v22, v27  }
0x89: {  	[tilespmem:v13+s18+$0x0] =	vst.idx.add.f32.msk $0xffff, v16  }
0x8a: {  	[tilespmem:v8+s19+$0x0] =	vst.idx.add.f32.msk $0xffff, v2;
	v8, v9, _ =	vpop (xrf1)  }
0x8b: {  	[tilespmem:v13+s19+$0x0] =	vst.idx.add.f32.msk $0xffff, v2;
	v28, v29, _ =	vpop (xrf1)  }
0x8c: {  	s26 =	sadd.s32 $0x800, s26;
	[tilespmem:v24+s17+$0x0] =	vst.idx.add.f32.msk $0xffff, v23;
	v6, v30, _ =	vpop (xrf1)  }
0x8d: {  	s28 =	sand.u32 $0xC00, s26;
	v15 =	vld.idx.msk [tilespmem:v26+s20+$0x0], $0xffff;
	v48, v16, _ =	vpop (xrf1)  }
0x8e: {  	s1 =	sand.u32 $0x800, s1;
	s26 =	sadd.s32 $0xFFFFFC00, s26;
	[tilespmem:v24+s18+$0x0] =	vst.idx.add.f32.msk $0xffff, v25;
	v16 =	vadd.s32 s28, v16;
	v49, v50, _ =	vpop (xrf1)  }
0x8f: {  	s26 =	sand.u32 $0x800, s26;
	[tilespmem:v24+s19+$0x0] =	vst.idx.add.f32.msk $0xffff, v2;
	v29 =	vadd.s32 s1, v29;
	v51, v31, _ =	vpop (xrf1)  }
0x90: {  	[tilespmem:v27+s17+$0x0] =	vst.idx.add.f32.msk $0xffff, v21;
	v31 =	vadd.s32 s26, v31  }
0x91: {  	[tilespmem:v27+s18+$0x0] =	vst.idx.add.f32.msk $0xffff, v22  }
0x92: {  	[tilespmem:v27+s19+$0x0] =	vst.idx.add.f32.msk $0xffff, v2  }
0x93: {  	v9 =	vadd.s32 s31, v9;
	v52 =	vld.idx.msk [tilespmem:v16+s20+$0x0], $0xffff  }
0x94: {  	v32 =	vld.idx.msk [tilespmem:v29+s20+$0x0], $0xffff  }
0x95: {  	v53 =	vadd.s32 s28, v50;
	v54 =	vld.idx.msk [tilespmem:v31+s20+$0x0], $0xffff  }
0x96: {  	v15 =	vmax.f32 v15, v19;
	v55 =	vadd.s32 s1, v30;
	v56, v57, _ =	vpop (xrf1)  }
0x97: {  	v11 =	vmax.f32 v20, v11;
	[tilespmem:v26+s20+$0x0] =	vst.idx.msk $0xffff, v15;
	v58 =	vadd.s32 s26, v57  }
0x98: {  	[tilespmem:v10+s20+$0x0] =	vst.idx.msk $0xffff, v11;
	v11 =	vld.idx.msk [tilespmem:v9+s21+$0x0], $0xffff;
	v10 =	vmax.f32 v52, v48  }
0x99: {  	v59 =	vmax.f32 v32, v28;
	[tilespmem:v16+s20+$0x0] =	vst.idx.msk $0xffff, v10;
	v10 =	vld.idx.msk [tilespmem:v12+s21+$0x0], $0xffff  }
0x9a: {  	[tilespmem:v29+s20+$0x0] =	vst.idx.msk $0xffff, v59;
	v60 =	vld.idx.msk [tilespmem:v53+s21+$0x0], $0xffff;
	v61 =	vmax.f32 v54, v51  }
0x9b: {  	v7 =	vmax.f32 v18, v7;
	v62 =	vld.idx.msk [tilespmem:v55+s21+$0x0], $0xffff;
	[tilespmem:v31+s20+$0x0] =	vst.idx.msk $0xffff, v61  }
0x9c: {  	v3 =	vmax.f32 v17, v3;
	[tilespmem:v5+s21+$0x0] =	vst.idx.msk $0xffff, v7;
	v5 =	vld.idx.msk [tilespmem:v58+s21+$0x0], $0xffff  }
0x9d: {  	[tilespmem:v4+s21+$0x0] =	vst.idx.msk $0xffff, v3;
	v3 =	vmax.f32 v11, v8  }
0x9e: {  	[tilespmem:v9+s21+$0x0] =	vst.idx.msk $0xffff, v3;
	v4 =	vmax.f32 v10, v14  }
0x9f: {  	[tilespmem:v12+s21+$0x0] =	vst.idx.msk $0xffff, v4;
	v3 =	vmax.f32 v60, v49  }
0xa0: {  	v4 =	vmax.f32 v62, v6;
	[tilespmem:v53+s21+$0x0] =	vst.idx.msk $0xffff, v3  }
0xa1: {  	[tilespmem:v55+s21+$0x0] =	vst.idx.msk $0xffff, v4;
	v3 =	vmax.f32 v5, v56  }
0xa2: {  	[tilespmem:v58+s21+$0x0] =	vst.idx.msk $0xffff, v3  }
0xa3: {  	v3 =	vld [tilespmem:$0x7C0];
	_ =	sdelay $0x4  }
0xa4: {  	v3 =	vshll.u32 v3, $0x1;
	_ =	sdelay $0x3  }
0xa5: {  	v4 =	vld [tilespmem:$0xFC0]  }
0xa6: {  	v5 =	vld.idx.msk [tilespmem:v3+s13+$0x0], $0xffff;
	_ =	sdelay $0x1  }
0xa7: {  	v3 =	vor.u32 $0x1, v3;
	_ =	sdelay $0x2  }
0xa8: {  	(xrf1) =	vsort.ascd.msk.f32 $0xffff, v5, v4;
	_ =	sdelay $0x1  }
0xa9: {  	v3 =	vld.idx.msk [tilespmem:v3+s13+$0x0], $0xffff;
	_ =	sdelay $0x4  }
0xaa: {  	(xrf1) =	vsort.ascd.msk.f32 $0xffff, v3, v4;
	_ =	sdelay $0x6  }
0xab: {  	v6, v7, _ =	vpop (xrf1)  }
0xac: {  	[tilespmem:v4+s17+$0x0] =	vst.idx.add.f32.msk $0xffff, v5  }
0xad: {  	[tilespmem:v4+s18+$0x0] =	vst.idx.add.f32.msk $0xffff, v3  }
0xae: {  	s26 =	simm.s32 $0x2400;
	[tilespmem:v4+s19+$0x0] =	vst.idx.add.f32.msk $0xffff, v2  }
0xaf: {  	v3 =	vld.idx.msk [tilespmem:v7+s26+$0x0], $0xffff;
	_ =	sdelay $0x2  }
0xb0: {  	v4, v5, _ =	vpop (xrf1);
	_ =	sdelay $0x1  }
0xb1: {  	v3 =	vmax.f32 v3, v6  }
0xb2: {  	s28 =	simm.s32 $0x3400;
	[tilespmem:v7+s26+$0x0] =	vst.idx.msk $0xffff, v3  }
0xb3: {  	v3 =	vld.idx.msk [tilespmem:v5+s28+$0x0], $0xffff;
	_ =	sdelay $0x4  }
0xb4: {  	v3 =	vmax.f32 v3, v4  }
0xb5: {  	[tilespmem:v5+s28+$0x0] =	vst.idx.msk $0xffff, v3  }
0xb6: {  	v6 =	vld [tilespmem:s26+$0xC10]  }
0xb7: {  	v5 =	vld [tilespmem:s26+$0x810]  }
0xb8: {  	v4 =	vld [tilespmem:s26+$0x10]  }
0xb9: {  	v7 =	vld [tilespmem:s28+$0x10]  }
0xba: {  	v8 =	vld [tilespmem:s26+$0x410]  }
0xbb: {  	v9 =	vld [tilespmem:s28+$0x410]  }
0xbc: {  	v10 =	vld [tilespmem:s28+$0x810]  }
0xbd: {  	v11 =	vld [tilespmem:s28+$0xC10]  }
0xbe: {  	v12 =	vld [tilespmem:s28+$0x0]  }
0xbf: {  	v3 =	vld [tilespmem:s26+$0x400]  }
0xc0: {  	v63 =	vld [tilespmem:s28+$0x400]  }
0xc1: {  	v8 =	vmax.f32 v4, v8;
	v4 =	vld [tilespmem:s26+$0x0]  }
0xc2: {  	v7 =	vmax.f32 v7, v9;
	v8 =	vmax.f32 v8, v5;
	v5 =	vld [tilespmem:s26+$0x800]  }
0xc3: {  	v7 =	vmax.f32 v7, v10;
	v8 =	vmax.f32 v8, v6;
	v6 =	vld [tilespmem:s28+$0x800]  }
0xc4: {  	v9 =	vmax.f32 v7, v11;
	v7 =	vld [tilespmem:s26+$0xC00];
	[tilespmem:s26+$0x10] =	vst v8  }
0xc5: {  	s30 =	simm.s32 $0x0;
	s29 =	simm.s32 $0x3400;
	s31 =	simm.s32 $0x2420;
	v8 =	vld [tilespmem:s28+$0xC00];
	[tilespmem:s28+$0x10] =	vst v9;
	v9 =	vmax.f32 v12, v63  }
.LBB2_8:
0xc6: {  	v10 =	vld [tilespmem:s31+$0xC10];
	v3 =	vmax.f32 v4, v3  }
0xc7: {  	v4 =	vld [tilespmem:s31+$0x810];
	v3 =	vmax.f32 v3, v5  }
0xc8: {  	s28 =	sadd.s32 $0x20, s28;
	v5 =	vld [tilespmem:s31+$0x10];
	v6 =	vmax.f32 v9, v6  }
0xc9: {  	v9 =	vld [tilespmem:s28+$0x10];
	v3 =	vmax.f32 v3, v7  }
0xca: {  	v7 =	vld [tilespmem:s31+$0x410];
	v6 =	vmax.f32 v6, v8;
	[tilespmem:s26+$0x0] =	vst v3;
	s26 =	smov.u32 s31  }
0xcb: {  	s30 =	sadd.s32 $0x2, s30;
	v8 =	vld [tilespmem:s28+$0x410];
	[tilespmem:s29+$0x0] =	vst v6;
	s29 =	smov.u32 s28  }
0xcc: {  	p0 =	slt.u32 s30, $0x3E;
	v6 =	vld [tilespmem:s28+$0x810]  }
0xcd: {  	v11 =	vld [tilespmem:s28+$0xC10]  }
0xce: {  	v12 =	vld [tilespmem:s28+$0x0]  }
0xcf: {  	v3 =	vld [tilespmem:s31+$0x400];
	v5 =	vmax.f32 v5, v7  }
0xd0: {  	v13 =	vld [tilespmem:s28+$0x400];
	v7 =	vmax.f32 v9, v8;
	v5 =	vmax.f32 v5, v4  }
.Ltmp3:
0xd1: {  	v4 =	vld [tilespmem:s31+$0x0];
	v6 =	vmax.f32 v7, v6;
	v7 =	vmax.f32 v5, v10;
	(pc) =	sbr.rel @p0 .LBB2_8-.Ltmp3, $4  }
0xd2: {  	v5 =	vld [tilespmem:s31+$0x800];
	v8 =	vmax.f32 v6, v11;
	[tilespmem:s31+$0x10] =	vst v7  }
0xd3: {  	v6 =	vld [tilespmem:s28+$0x800];
	[tilespmem:s28+$0x10] =	vst v8  }
0xd4: {  	v7 =	vld [tilespmem:s31+$0xC00]  }
0xd5: {  	s31 =	sadd.s32 $0x20, s31;
	v9 =	vmax.f32 v12, v13;
	v8 =	vld [tilespmem:s28+$0xC00]  }
0xd6: {  	_ = 	snop  }
0xd7: {  	v3 =	vmax.f32 v4, v3  }
0xd8: {  	v3 =	vmax.f32 v3, v5  }
0xd9: {  	v63 =	vmax.f32 v9, v6;
	v3 =	vmax.f32 v3, v7  }
0xda: {  	v4 =	vmax.f32 v63, v8;
	[tilespmem:s26+$0x0] =	vst v3  }
0xdb: {  	[tilespmem:s29+$0x0] =	vst v4  }
0xdc: {  	[hbm4b:s6+s22] =	stream.strided.scatter [tilespmem:s17], [sflag:$0x4], $0x400, s23, s22, $0x38;
	[tilespmem:$0x4400] =	vst v63  }
0xdd: {  	_ =	swait.ge [sflag:s24], $0x400  }
0xde: {  	[sflag:s24] =	ssyncset.done $0x0  }
0xdf: {  	[sflag:s24] =	ssyncadd.s32 $0xFFFFFC00  }
0xe0: {  	[hbm4b:s7+s22] =	stream.strided.scatter [tilespmem:s18], [sflag:$0x4], $0x400, s23, s22, $0x38;
	[tilespmem:$0x4400] =	vst v63  }
0xe1: {  	_ =	swait.ge [sflag:s24], $0x400  }
0xe2: {  	[sflag:s24] =	ssyncset.done $0x0  }
0xe3: {  	[sflag:s24] =	ssyncadd.s32 $0xFFFFFC00  }
0xe4: {  	[hbm4b:s8+s22] =	stream.strided.scatter [tilespmem:s19], [sflag:$0x4], $0x400, s23, s22, $0x38;
	[tilespmem:$0x4400] =	vst v63  }
0xe5: {  	_ =	swait.ge [sflag:s24], $0x400  }
0xe6: {  	[sflag:s24] =	ssyncset.done $0x0  }
0xe7: {  	[sflag:s24] =	ssyncadd.s32 $0xFFFFFC00  }
0xe8: {  	[hbm4b:s9+s22] =	stream.strided.scatter [tilespmem:s20], [sflag:$0x4], $0x400, s23, s22, $0x38;
	[tilespmem:$0x4400] =	vst v63  }
0xe9: {  	s25 =	sadd.s32 $0x1, s25;
	_ =	swait.ge [sflag:s24], $0x400  }
0xea: {  	p0 =	sne.s32 s25, s11;
	[sflag:s24] =	ssyncset.done $0x0  }
.Ltmp4:
0xeb: {  	[sflag:s24] =	ssyncadd.s32 $0xFFFFFC00;
	(pc) =	sbr.rel @p0 .LBB2_1-.Ltmp4, $4  }
0xec: {  	[hbm4b:s10+s22] =	stream.strided.scatter [tilespmem:s21], [sflag:$0x4], $0x400, s23, s22, $0x38;
	[tilespmem:$0x4400] =	vst v63  }
0xed: {  	_ =	swait.ge [sflag:s24], $0x400  }
0xee: {  	[sflag:s24] =	ssyncset.done $0x0  }
0xef: {  	[sflag:s24] =	ssyncadd.s32 $0xFFFFFC00  }
0xf0: {  	_ =	sfence.sel $0x180000  }
0xf1: {  	[bflag:$0x0] =	sbarrier.arrive $0xFFFF  }
0xf2: {  	_ =	strace $0x90000047  }
0xf3: {  	[bflag:$0x2] =	sbarrier.arrive $0xFFFF  }
0xf4: {  	p0 =	sne.s32 s0, $0x0;
	s0 =	rddreg [dreg:$0x1]  }
0xf5: {  	s0 =	sadd.s32 @!p0 $0x100000, s0  }
0xf6: {  	[sflag:s0] =	ssyncadd.tile.s32 @!p0 $0x1;
	_ =	shalt  }
.Lfunc_end2:
_tile_overlayer_lowered:
.L_overlay_start_2:
0xf7: {  	(tag) =	ssettag $0x2  }
0xf8: {  	s0 =	rddreg [dreg:$0x0];
	s2 =	stileid.u32  }
0xf9: {  	s1 =	rddreg [dreg:$0x1];
	p0 =	sne.s32 s2, $0x0  }
0xfa: {  	s3 =	rddreg [dreg:$0x2];
	[bflag:$0x3] =	sbarrier.arrive $0xFFFF;
	s2 =	simm.s32 @!p0 $0x1C04  }
0xfb: {  	[timem:s3], [sflag:s2] =	dma.local @!p0 [hbm:s0], s1  }
0xfc: {  	s0 =	simm.s32 @!p0 $0x4  }
0xfd: {  	_ =	swait.ge @!p0 [sflag:s0], s1  }
0xfe: {  	s1 =	ssub.s32 @!p0 $0x0, s1;
	[sflag:s0] =	ssyncset.done @!p0 $0x0  }
0xff: {  	[sflag:s0] =	ssyncadd.s32 @!p0 s1  }
0x100: {  	[bflag:$0x3] =	sbarrier.arrive $0xFFFF  }
0x101: {  	_ =	shalt  }

</sc_bundles>
